<compile_context>
chip_gen: v7x
topology: tpu7x:2x2x1
jax: 0.10.2.dev20260603
libtpu: 0.0.44.dev20260713+nightly
codegen_flags: <defaults>
</compile_context>

<pallas_src>
import functools
import jax
import jax.numpy as jnp
from jax import lax
from jax.experimental import pallas as pl
from jax.experimental.pallas import tpu as pltpu
from jax.experimental.pallas import tpu_sc as plsc

_NC = 2
_NS = 16
_NW = _NC * _NS


def _deg_body(np_, nch, ch, dst_hbm, ew_hbm, deg_out, dst_v, ew_v, tmp_v,
              deg_sh):
    c = lax.axis_index("c")
    s = lax.axis_index("s")
    wid = s * _NC + c
    rpt = np_ // _NS

    z16 = jnp.zeros((16,), jnp.float32)

    @pl.loop(0, rpt // 16)
    def _zero(i):
        tmp_v[pl.ds(i * 16, 16)] = z16

    pltpu.sync_copy(tmp_v, deg_sh.at[pl.ds(s * rpt, rpt)])
    plsc.subcore_barrier()

    pltpu.sync_copy(dst_hbm.at[wid], dst_v)
    pltpu.sync_copy(ew_hbm.at[wid], ew_v)

    @pl.loop(0, nch)
    def _scatter(k):
        pltpu.sync_copy(ew_v.at[k], deg_sh.at[dst_v.at[k]], add=True)

    plsc.subcore_barrier()
    pltpu.sync_copy(deg_sh.at[pl.ds(s * rpt, rpt)], tmp_v)
    pltpu.sync_copy(tmp_v, deg_out.at[c, pl.ds(s * rpt, rpt)])


def _edge_body(np_, nch, ch, u_hbm, src_hbm, dst_hbm, ew_hbm, y_out,
               src_v, dst_v, ew_v, rows_v, tmp_v, y_sh, sem_g):
    c = lax.axis_index("c")
    s = lax.axis_index("s")
    wid = s * _NC + c
    rpt = np_ // _NS

    z16 = jnp.zeros((16,), jnp.float32)

    @pl.loop(0, rpt)
    def _zero(i):
        tmp_v[i, pl.ds(0, 16)] = z16
        tmp_v[i, pl.ds(16, 16)] = z16

    pltpu.sync_copy(tmp_v, y_sh.at[pl.ds(s * rpt, rpt)])
    plsc.subcore_barrier()

    pltpu.sync_copy(src_hbm.at[wid], src_v)
    pltpu.sync_copy(dst_hbm.at[wid], dst_v)
    pltpu.sync_copy(ew_hbm.at[wid], ew_v)

    @pl.loop(0, nch)
    def _chunk(k):
        pltpu.async_copy(u_hbm.at[src_v.at[k]], rows_v, sem_g).wait()

        @pl.loop(0, ch // 16)
        def _scale(j):
            wv = ew_v[k, pl.ds(j * 16, 16)]
            for l in range(16):
                e = j * 16 + l
                w = wv[l]
                rows_v[e, pl.ds(0, 16)] = rows_v[e, pl.ds(0, 16)] * w
                rows_v[e, pl.ds(16, 16)] = rows_v[e, pl.ds(16, 16)] * w

        pltpu.sync_copy(rows_v, y_sh.at[dst_v.at[k]], add=True)

    plsc.subcore_barrier()
    pltpu.sync_copy(y_sh.at[pl.ds(s * rpt, rpt)], tmp_v)
    pltpu.sync_copy(tmp_v, y_out.at[c, pl.ds(s * rpt, rpt)])


def _scale_body(deg0, deg1, xq, dinv, u):
    d = deg0[...] + deg1[...] + 1.0
    r = lax.rsqrt(d)
    dinv[...] = r
    u[...] = xq[...] * r


def _epi_body(y0, y1, xf, dinv, att, wz, bz, lwz, lbz, wh, bh, lwh, lbh, out):
    f32 = jnp.float32
    r = dinv[...]
    ytot = (y0[...] + y1[...]) * r + xf[...] * (r * r)

    az = lwz[...][0:128, :]
    ah = lwh[...][0:128, :]
    mz = jnp.dot(wz[...], az, preferred_element_type=f32)
    mh = jnp.dot(wh[...], ah, preferred_element_type=f32)
    cz = jnp.dot(bz[...], az, preferred_element_type=f32) + lbz[...]
    chh = jnp.dot(bh[...], ah, preferred_element_type=f32) + lbh[...]

    a = att[...]
    a = a - jnp.max(a, axis=1, keepdims=True)
    e = jnp.exp(a)
    probs = e / jnp.sum(e, axis=1, keepdims=True)

    acc = jnp.zeros(out.shape, f32)
    for t in range(16):
        x0 = ytot[:, t:t + 1]
        x1 = ytot[:, 16 + t:17 + t]
        gz = x0 * mz[0:1, :] + x1 * mz[1:2, :] + cz
        gh = x0 * mh[0:1, :] + x1 * mh[1:2, :] + chh
        z = jax.nn.sigmoid(gz)
        ht = jnp.tanh(gh)
        acc = acc + probs[:, t:t + 1] * ((1.0 - z) * ht)
    out[...] = acc


def kernel(X, edge_index, edge_weight, attention, W_z, b_z, lw_z, lb_z,
           W_r, b_r, lw_r, lb_r, W_h, b_h, lw_h, lb_h):
    f32 = jnp.float32
    N = X.shape[0]
    E = edge_index.shape[1]
    P2 = X.shape[2]
    OC = lw_z.shape[1]
    NP = ((N + 2047) // 2048) * 2048

    ch = 80
    nch = -(-E // (_NW * ch))
    E2 = _NW * ch * nch

    xf = X.reshape(N, 2 * P2)
    pe = E2 - E
    src = jnp.pad(edge_index[0], (0, pe)).reshape(_NW, nch, ch)
    dst = jnp.pad(edge_index[1], (0, pe)).reshape(_NW, nch, ch)
    ew = jnp.pad(edge_weight, (0, pe)).reshape(_NW, nch, ch)

    mesh = plsc.VectorSubcoreMesh(core_axis_name="c", subcore_axis_name="s")

    deg_k = pl.kernel(
        functools.partial(_deg_body, NP, nch, ch),
        out_type=jax.ShapeDtypeStruct((_NC, NP), f32),
        mesh=mesh,
        scratch_types=[
            pltpu.VMEM((nch, ch), jnp.int32),
            pltpu.VMEM((nch, ch), f32),
            pltpu.VMEM((NP // _NS,), f32),
            pltpu.VMEM_SHARED((NP,), f32),
        ],
    )
    deg2 = deg_k(dst, ew)

    BB = 2000
    g = N // BB
    dinv, u = pl.pallas_call(
        _scale_body,
        grid=(g,),
        in_specs=[
            pl.BlockSpec((BB, 1), lambda i: (i, 0)),
            pl.BlockSpec((BB, 1), lambda i: (i, 0)),
            pl.BlockSpec((BB, 2 * P2), lambda i: (i, 0)),
        ],
        out_specs=[
            pl.BlockSpec((BB, 1), lambda i: (i, 0)),
            pl.BlockSpec((BB, 2 * P2), lambda i: (i, 0)),
        ],
        out_shape=[
            jax.ShapeDtypeStruct((N, 1), f32),
            jax.ShapeDtypeStruct((N, 2 * P2), f32),
        ],
    )(deg2[0].reshape(NP, 1), deg2[1].reshape(NP, 1), xf)

    edge_k = pl.kernel(
        functools.partial(_edge_body, NP, nch, ch),
        out_type=jax.ShapeDtypeStruct((_NC, NP, 2 * P2), f32),
        mesh=mesh,
        compiler_params=pltpu.CompilerParams(use_tc_tiling_on_sc=False),
        scratch_types=[
            pltpu.VMEM((nch, ch), jnp.int32),
            pltpu.VMEM((nch, ch), jnp.int32),
            pltpu.VMEM((nch, ch), f32),
            pltpu.VMEM((ch, 2 * P2), f32),
            pltpu.VMEM((NP // _NS, 2 * P2), f32),
            pltpu.VMEM_SHARED((NP, 2 * P2), f32),
            pltpu.SemaphoreType.DMA,
        ],
    )
    y2 = edge_k(u, src, dst, ew)

    full = lambda shape: pl.BlockSpec(shape, lambda i: tuple(0 for _ in shape))
    out = pl.pallas_call(
        _epi_body,
        grid=(g,),
        in_specs=[
            pl.BlockSpec((BB, 2 * P2), lambda i: (i, 0)),
            pl.BlockSpec((BB, 2 * P2), lambda i: (i, 0)),
            pl.BlockSpec((BB, 2 * P2), lambda i: (i, 0)),
            pl.BlockSpec((BB, 1), lambda i: (i, 0)),
            full((1, P2)),
            full((2, OC)),
            full((1, OC)),
            full((2 * OC, OC)),
            full((1, OC)),
            full((2, OC)),
            full((1, OC)),
            full((2 * OC, OC)),
            full((1, OC)),
        ],
        out_specs=pl.BlockSpec((BB, OC), lambda i: (i, 0)),
        out_shape=jax.ShapeDtypeStruct((N, OC), f32),
    )(y2[0], y2[1], xf, dinv, attention.reshape(1, P2),
      W_z, b_z.reshape(1, OC), lw_z, lb_z.reshape(1, OC),
      W_h, b_h.reshape(1, OC), lw_h, lb_h.reshape(1, OC))

    return out

# --- scband reference (transcript-rebuilt; emitter-appended) ---
"""Pipeline reference for scband-ba3-tgcn-32684701122591 (READ-ONLY COPY).

The authoritative reference and input builder live on the scoring server;
editing this copy changes nothing except your own understanding.
"""

import jax, jax.numpy as jnp
import numpy as np

N = 10000
E = 320000
IN_CH = 2
OUT_CH = 128
PERIODS = 8
TRAIN_OR_PREDICT = 1


def setup_inputs(seed: int = 0) -> dict:
    key = jax.random.key(seed)
    ks = jax.random.split(key, 16)
    inp = {}
    inp["X"] = jax.random.normal(ks[0], (N, IN_CH, 2 * PERIODS), dtype=jnp.float32)
    inp["edge_index"] = jax.random.randint(ks[1], (2, E), 0, N, dtype=jnp.int32)
    inp["edge_weight"] = jax.random.uniform(ks[2], (E,), dtype=jnp.float32)
    inp["attention"] = jax.random.uniform(ks[3], (2 * PERIODS,), dtype=jnp.float32)
    for i, g in enumerate(["z", "r", "h"]):
        k = jax.random.split(ks[4 + i], 4)
        inp["W_" + g] = jax.random.normal(k[0], (IN_CH, OUT_CH), dtype=jnp.float32) * (1.0 / np.sqrt(IN_CH))
        inp["b_" + g] = jnp.zeros((OUT_CH,), dtype=jnp.float32)
        inp["lw_" + g] = jax.random.normal(k[1], (2 * OUT_CH, OUT_CH), dtype=jnp.float32) * (1.0 / np.sqrt(2 * OUT_CH))
        inp["lb_" + g] = jnp.zeros((OUT_CH,), dtype=jnp.float32)
    return inp


def _gcn_conv(x, W, b, src, dst, ew):
    # PyG GCNConv: x @ W, add self loops (weight 1.0), symmetric normalization, scatter-add, + bias
    h = x @ W
    loop = jnp.arange(N, dtype=src.dtype)
    s = jnp.concatenate([src, loop])
    d = jnp.concatenate([dst, loop])
    w = jnp.concatenate([ew, jnp.ones((N,), dtype=ew.dtype)])
    deg = jnp.zeros((N,), dtype=ew.dtype).at[d].add(w)
    dinv = jnp.where(deg > 0, jax.lax.rsqrt(deg), 0.0)
    norm = dinv[s] * w * dinv[d]
    out = jnp.zeros((N, h.shape[1]), dtype=h.dtype).at[d].add(norm[:, None] * h[s])
    return out + b


def _tgcn(x, src, dst, ew, p):
    # TGCN cell with H=None -> H=zeros (matches how BA3TGCN.forward calls it each period)
    H = jnp.zeros((N, OUT_CH), dtype=x.dtype)
    Z = jax.nn.sigmoid(jnp.concatenate([_gcn_conv(x, p["W_z"], p["b_z"], src, dst, ew), H], axis=1) @ p["lw_z"] + p["lb_z"])
    R = jax.nn.sigmoid(jnp.concatenate([_gcn_conv(x, p["W_r"], p["b_r"], src, dst, ew), H], axis=1) @ p["lw_r"] + p["lb_r"])
    H_tilde = jnp.tanh(jnp.concatenate([_gcn_conv(x, p["W_h"], p["b_h"], src, dst, ew), H * R], axis=1) @ p["lw_h"] + p["lb_h"])
    return Z * H + (1.0 - Z) * H_tilde


def reference(X, edge_index, edge_weight, attention, W_z, b_z, lw_z, lb_z, W_r, b_r, lw_r, lb_r, W_h, b_h, lw_h, lb_h):
    src = edge_index[0]
    dst = edge_index[1]
    p = {"W_z": W_z, "b_z": b_z, "lw_z": lw_z, "lb_z": lb_z,
         "W_r": W_r, "b_r": b_r, "lw_r": lw_r, "lb_r": lb_r,
         "W_h": W_h, "b_h": b_h, "lw_h": lw_h, "lb_h": lb_h}
    probs = jax.nn.softmax(attention, axis=0)
    X_f = X[:, :, :PERIODS]
    X_b = X[:, :, PERIODS:]
    acc_f = jnp.zeros((N, OUT_CH), dtype=X.dtype)
    acc_b = jnp.zeros((N, OUT_CH), dtype=X.dtype)
    for t in range(PERIODS):
        acc_f = acc_f + probs[t] * _tgcn(X_f[:, :, t], src, dst, edge_weight, p)
    for t in range(PERIODS - 1, -1, -1):
        acc_b = acc_b + probs[t + PERIODS] * _tgcn(X_b[:, :, t], src, dst, edge_weight, p)
    return acc_f + acc_b * TRAIN_OR_PREDICT

if __name__ == "__main__":
    import jax
    _d = setup_inputs()
    print(jax.jit(kernel)(*tuple(_d.values())))

</pallas_src>

<mosaic_0001>
#map = affine_map<(d0, d1) -> (0, 0, 0)>
#map1 = affine_map<(d0, d1) -> (0, 0)>
module attributes {stable_mosaic.version = 14 : i64} {
  func.func @_deg_body(%arg0: i32, %arg1: i32, %arg2: memref<32x125x80xi32, #tpu.memory_space<hbm>>, %arg3: memref<32x125x80xf32, #tpu.memory_space<hbm>>, %arg4: memref<2x10240xf32, #tpu.memory_space<hbm>>, %arg5: memref<125x80xi32, #tpu.memory_space<vmem>>, %arg6: memref<125x80xf32, #tpu.memory_space<vmem>>, %arg7: memref<640xf32, #tpu.memory_space<vmem>>, %arg8: memref<10240xf32, #tpu.memory_space<vmem_shared>>) attributes {dimension_semantics = [#tpu.dimension_semantics<core_parallel>, #tpu.dimension_semantics<subcore_parallel>], iteration_bounds = array<i64: 2, 16>, scalar_prefetch = 0 : i64, scratch_operands = 4 : i64, tpu.core_type = #tpu.core_type<sc_vector_subcore>, window_params = [{transform_indices = #map}, {transform_indices = #map}, {transform_indices = #map1}]} {
    %mul3A = arith.constant 2 : i32
    %mul3A_0 = arith.muli %arg1, %mul3A : i32
    %add3A = arith.addi %mul3A_0, %arg0 : i32
    %broadcast_in_dim3A = arith.constant 0.000000e+00 : f32
    %broadcast_in_dim3A_1 = vector.broadcast %broadcast_in_dim3A : f32 to vector<16xf32>
    %scan3A = arith.constant 0 : i32
    %scan3A_2 = arith.constant 40 : i32
    %scan3A_3 = arith.addi %scan3A, %scan3A_2 : i32
    %scan3A_4 = arith.constant 1 : i32
    scf.for %scan3A_18 = %scan3A to %scan3A_3 step %scan3A_4  : i32 {
      %mul3A_19 = arith.constant 1 : i32
      %mul3A_20 = arith.muli %scan3A_18, %mul3A_19 : i32
      %add3A_21 = arith.constant 0 : i32
      %add3A_22 = arith.addi %add3A_21, %mul3A_20 : i32
      %mul3A_23 = arith.constant 16 : i32
      %mul3A_24 = arith.muli %add3A_22, %mul3A_23 : i32
      %swap3A = arith.index_cast %mul3A_24 : i32 to index
      %swap3A_25 = tpu.vector_load %arg7[%swap3A] {strides = array<i32>} : memref<640xf32, #tpu.memory_space<vmem>>, vector<16xf32>,
      %swap3A_26 = vector.shape_cast %swap3A_25 : vector<16xf32> to vector<16xf32>
      %swap3A_27 = vector.shape_cast %broadcast_in_dim3A_1 : vector<16xf32> to vector<16xf32>
      tpu.vector_store %arg7[%swap3A], %swap3A_27 {strides = array<i32>} : memref<640xf32, #tpu.memory_space<vmem>>, vector<16xf32>,
    }
    %scan3A_5 = arith.constant 40 : i32
    %mul3A_6 = arith.constant 640 : i32
    %mul3A_7 = arith.muli %arg1, %mul3A_6 : i32
    "tpu.region"() ({
      %run_scoped3A = tpu.sem_alloc : memref<!tpu.dma_semaphore, #tpu.memory_space<semaphore_mem>>
      %dma_start3A = tpu.memref_slice %arg8[%mul3A_7] : memref<10240xf32, #tpu.memory_space<vmem_shared>> -> memref<640xf32, #tpu.memory_space<vmem_shared>>
      %dma_start3A_18 = tpu.memref_slice %arg8[%mul3A_7] : memref<10240xf32, #tpu.memory_space<vmem_shared>> -> memref<640xf32, #tpu.memory_space<vmem_shared>>
      tpu.enqueue_dma source(%arg7 : memref<640xf32, #tpu.memory_space<vmem>>) target(%dma_start3A_18 : memref<640xf32, #tpu.memory_space<vmem_shared>>) target_semaphore(%run_scoped3A : memref<!tpu.dma_semaphore, #tpu.memory_space<semaphore_mem>>)
      %dma_wait3A = tpu.memref_slice %arg8[%mul3A_7] : memref<10240xf32, #tpu.memory_space<vmem_shared>> -> memref<640xf32, #tpu.memory_space<vmem_shared>>
      %dma_wait3A_19 = tpu.memref_slice %arg8[%mul3A_7] : memref<10240xf32, #tpu.memory_space<vmem_shared>> -> memref<640xf32, #tpu.memory_space<vmem_shared>>
      tpu.wait_dma2 semaphore(%run_scoped3A : memref<!tpu.dma_semaphore, #tpu.memory_space<semaphore_mem>>) src(%arg7 : memref<640xf32, #tpu.memory_space<vmem>>) dst(%dma_wait3A_19 : memref<640xf32, #tpu.memory_space<vmem_shared>>)
      tpu.yield
    }) : () -> ()
    %barrier3A = arith.constant 0 : index
    tpu.barrier barrier_id(%barrier3A)
    "tpu.region"() ({
      %run_scoped3A = tpu.sem_alloc : memref<!tpu.dma_semaphore, #tpu.memory_space<semaphore_mem>>
      %dma_start3A = arith.constant 0 : i32
      %dma_start3A_18 = arith.constant 0 : i32
      %dma_start3A_19 = tpu.memref_slice %arg2[%add3A, %dma_start3A, %dma_start3A_18] : memref<32x125x80xi32, #tpu.memory_space<hbm>> -> memref<1x125x80xi32, #tpu.memory_space<hbm>>
      %dma_start3A_20 = tpu.memref_squeeze %dma_start3A_19 : memref<1x125x80xi32, #tpu.memory_space<hbm>> -> memref<125x80xi32, #tpu.memory_space<hbm>>
      %dma_start3A_21 = arith.constant 0 : i32
      %dma_start3A_22 = arith.constant 0 : i32
      %dma_start3A_23 = tpu.memref_slice %arg2[%add3A, %dma_start3A_21, %dma_start3A_22] : memref<32x125x80xi32, #tpu.memory_space<hbm>> -> memref<1x125x80xi32, #tpu.memory_space<hbm>>
      %dma_start3A_24 = tpu.memref_squeeze %dma_start3A_23 : memref<1x125x80xi32, #tpu.memory_space<hbm>> -> memref<125x80xi32, #tpu.memory_space<hbm>>
      tpu.enqueue_dma source(%dma_start3A_24 : memref<125x80xi32, #tpu.memory_space<hbm>>) target(%arg5 : memref<125x80xi32, #tpu.memory_space<vmem>>) target_semaphore(%run_scoped3A : memref<!tpu.dma_semaphore, #tpu.memory_space<semaphore_mem>>)
      %dma_wait3A = arith.constant 0 : i32
      %dma_wait3A_25 = arith.constant 0 : i32
      %dma_wait3A_26 = tpu.memref_slice %arg2[%add3A, %dma_wait3A, %dma_wait3A_25] : memref<32x125x80xi32, #tpu.memory_space<hbm>> -> memref<1x125x80xi32, #tpu.memory_space<hbm>>
      %dma_wait3A_27 = tpu.memref_squeeze %dma_wait3A_26 : memref<1x125x80xi32, #tpu.memory_space<hbm>> -> memref<125x80xi32, #tpu.memory_space<hbm>>
      %dma_wait3A_28 = arith.constant 0 : i32
      %dma_wait3A_29 = arith.constant 0 : i32
      %dma_wait3A_30 = tpu.memref_slice %arg2[%add3A, %dma_wait3A_28, %dma_wait3A_29] : memref<32x125x80xi32, #tpu.memory_space<hbm>> -> memref<1x125x80xi32, #tpu.memory_space<hbm>>
      %dma_wait3A_31 = tpu.memref_squeeze %dma_wait3A_30 : memref<1x125x80xi32, #tpu.memory_space<hbm>> -> memref<125x80xi32, #tpu.memory_space<hbm>>
      tpu.wait_dma2 semaphore(%run_scoped3A : memref<!tpu.dma_semaphore, #tpu.memory_space<semaphore_mem>>) src(%dma_wait3A_31 : memref<125x80xi32, #tpu.memory_space<hbm>>) dst(%arg5 : memref<125x80xi32, #tpu.memory_space<vmem>>)
      tpu.yield
    }) : () -> ()
    "tpu.region"() ({
      %run_scoped3A = tpu.sem_alloc : memref<!tpu.dma_semaphore, #tpu.memory_space<semaphore_mem>>
      %dma_start3A = arith.constant 0 : i32
      %dma_start3A_18 = arith.constant 0 : i32
      %dma_start3A_19 = tpu.memref_slice %arg3[%add3A, %dma_start3A, %dma_start3A_18] : memref<32x125x80xf32, #tpu.memory_space<hbm>> -> memref<1x125x80xf32, #tpu.memory_space<hbm>>
      %dma_start3A_20 = tpu.memref_squeeze %dma_start3A_19 : memref<1x125x80xf32, #tpu.memory_space<hbm>> -> memref<125x80xf32, #tpu.memory_space<hbm>>
      %dma_start3A_21 = arith.constant 0 : i32
      %dma_start3A_22 = arith.constant 0 : i32
      %dma_start3A_23 = tpu.memref_slice %arg3[%add3A, %dma_start3A_21, %dma_start3A_22] : memref<32x125x80xf32, #tpu.memory_space<hbm>> -> memref<1x125x80xf32, #tpu.memory_space<hbm>>
      %dma_start3A_24 = tpu.memref_squeeze %dma_start3A_23 : memref<1x125x80xf32, #tpu.memory_space<hbm>> -> memref<125x80xf32, #tpu.memory_space<hbm>>
      tpu.enqueue_dma source(%dma_start3A_24 : memref<125x80xf32, #tpu.memory_space<hbm>>) target(%arg6 : memref<125x80xf32, #tpu.memory_space<vmem>>) target_semaphore(%run_scoped3A : memref<!tpu.dma_semaphore, #tpu.memory_space<semaphore_mem>>)
      %dma_wait3A = arith.constant 0 : i32
      %dma_wait3A_25 = arith.constant 0 : i32
      %dma_wait3A_26 = tpu.memref_slice %arg3[%add3A, %dma_wait3A, %dma_wait3A_25] : memref<32x125x80xf32, #tpu.memory_space<hbm>> -> memref<1x125x80xf32, #tpu.memory_space<hbm>>
      %dma_wait3A_27 = tpu.memref_squeeze %dma_wait3A_26 : memref<1x125x80xf32, #tpu.memory_space<hbm>> -> memref<125x80xf32, #tpu.memory_space<hbm>>
      %dma_wait3A_28 = arith.constant 0 : i32
      %dma_wait3A_29 = arith.constant 0 : i32
      %dma_wait3A_30 = tpu.memref_slice %arg3[%add3A, %dma_wait3A_28, %dma_wait3A_29] : memref<32x125x80xf32, #tpu.memory_space<hbm>> -> memref<1x125x80xf32, #tpu.memory_space<hbm>>
      %dma_wait3A_31 = tpu.memref_squeeze %dma_wait3A_30 : memref<1x125x80xf32, #tpu.memory_space<hbm>> -> memref<125x80xf32, #tpu.memory_space<hbm>>
      tpu.wait_dma2 semaphore(%run_scoped3A : memref<!tpu.dma_semaphore, #tpu.memory_space<semaphore_mem>>) src(%dma_wait3A_31 : memref<125x80xf32, #tpu.memory_space<hbm>>) dst(%arg6 : memref<125x80xf32, #tpu.memory_space<vmem>>)
      tpu.yield
    }) : () -> ()
    %scan3A_8 = arith.constant 0 : i32
    %scan3A_9 = arith.constant 125 : i32
    %scan3A_10 = arith.addi %scan3A_8, %scan3A_9 : i32
    %scan3A_11 = arith.constant 1 : i32
    scf.for %scan3A_18 = %scan3A_8 to %scan3A_10 step %scan3A_11  : i32 {
      %mul3A_19 = arith.constant 1 : i32
      %mul3A_20 = arith.muli %scan3A_18, %mul3A_19 : i32
      %add3A_21 = arith.constant 0 : i32
      %add3A_22 = arith.addi %add3A_21, %mul3A_20 : i32
      "tpu.region"() ({
        %run_scoped3A = tpu.sem_alloc : memref<!tpu.dma_semaphore, #tpu.memory_space<semaphore_mem>>
        %dma_start3A = arith.constant 0 : i32
        %dma_start3A_23 = tpu.memref_slice %arg6[%add3A_22, %dma_start3A] : memref<125x80xf32, #tpu.memory_space<vmem>> -> memref<1x80xf32, #tpu.memory_space<vmem>>
        %dma_start3A_24 = tpu.memref_squeeze %dma_start3A_23 : memref<1x80xf32, #tpu.memory_space<vmem>> -> memref<80xf32, #tpu.memory_space<vmem>>
        %dma_start3A_25 = arith.constant 0 : i32
        %dma_start3A_26 = tpu.memref_slice %arg5[%add3A_22, %dma_start3A_25] : memref<125x80xi32, #tpu.memory_space<vmem>> -> memref<1x80xi32, #tpu.memory_space<vmem>>
        %dma_start3A_27 = tpu.memref_squeeze %dma_start3A_26 : memref<1x80xi32, #tpu.memory_space<vmem>> -> memref<80xi32, #tpu.memory_space<vmem>>
        %dma_start3A_28 = arith.constant 0 : i32
        %dma_start3A_29 = tpu.memref_slice %arg8[%dma_start3A_28] : memref<10240xf32, #tpu.memory_space<vmem_shared>> -> memref<10240xf32, #tpu.memory_space<vmem_shared>>
        tpu.enqueue_indirect_dma source(%dma_start3A_24 : memref<80xf32, #tpu.memory_space<vmem>>) target(%dma_start3A_29 : memref<10240xf32, #tpu.memory_space<vmem_shared>>) offsets(%dma_start3A_27 : memref<80xi32, #tpu.memory_space<vmem>>) semaphore(%run_scoped3A : memref<!tpu.dma_semaphore, #tpu.memory_space<semaphore_mem>>) {add = true}
        %dma_wait3A = arith.constant 0 : i32
        %dma_wait3A_30 = tpu.memref_slice %arg6[%add3A_22, %dma_wait3A] : memref<125x80xf32, #tpu.memory_space<vmem>> -> memref<1x80xf32, #tpu.memory_space<vmem>>
        %dma_wait3A_31 = tpu.memref_squeeze %dma_wait3A_30 : memref<1x80xf32, #tpu.memory_space<vmem>> -> memref<80xf32, #tpu.memory_space<vmem>>
        %dma_wait3A_32 = arith.constant 0 : i32
        %dma_wait3A_33 = tpu.memref_slice %arg5[%add3A_22, %dma_wait3A_32] : memref<125x80xi32, #tpu.memory_space<vmem>> -> memref<1x80xi32, #tpu.memory_space<vmem>>
        %dma_wait3A_34 = tpu.memref_squeeze %dma_wait3A_33 : memref<1x80xi32, #tpu.memory_space<vmem>> -> memref<80xi32, #tpu.memory_space<vmem>>
        %dma_wait3A_35 = arith.constant 0 : i32
        %dma_wait3A_36 = tpu.memref_slice %arg8[%dma_wait3A_35] : memref<10240xf32, #tpu.memory_space<vmem_shared>> -> memref<10240xf32, #tpu.memory_space<vmem_shared>>
        tpu.wait_indirect_dma semaphore(%run_scoped3A : memref<!tpu.dma_semaphore, #tpu.memory_space<semaphore_mem>>) src(%dma_wait3A_31 : memref<80xf32, #tpu.memory_space<vmem>>) dst(%dma_wait3A_36 : memref<10240xf32, #tpu.memory_space<vmem_shared>>)
        tpu.yield
      }) : () -> ()
    }
    %scan3A_12 = arith.constant 125 : i32
    %barrier3A_13 = arith.constant 0 : index
    tpu.barrier barrier_id(%barrier3A_13)
    %mul3A_14 = arith.constant 640 : i32
    %mul3A_15 = arith.muli %arg1, %mul3A_14 : i32
    "tpu.region"() ({
      %run_scoped3A = tpu.sem_alloc : memref<!tpu.dma_semaphore, #tpu.memory_space<semaphore_mem>>
      %dma_start3A = tpu.memref_slice %arg8[%mul3A_15] : memref<10240xf32, #tpu.memory_space<vmem_shared>> -> memref<640xf32, #tpu.memory_space<vmem_shared>>
      %dma_start3A_18 = tpu.memref_slice %arg8[%mul3A_15] : memref<10240xf32, #tpu.memory_space<vmem_shared>> -> memref<640xf32, #tpu.memory_space<vmem_shared>>
      tpu.enqueue_dma source(%dma_start3A_18 : memref<640xf32, #tpu.memory_space<vmem_shared>>) target(%arg7 : memref<640xf32, #tpu.memory_space<vmem>>) target_semaphore(%run_scoped3A : memref<!tpu.dma_semaphore, #tpu.memory_space<semaphore_mem>>)
      %dma_wait3A = tpu.memref_slice %arg8[%mul3A_15] : memref<10240xf32, #tpu.memory_space<vmem_shared>> -> memref<640xf32, #tpu.memory_space<vmem_shared>>
      %dma_wait3A_19 = tpu.memref_slice %arg8[%mul3A_15] : memref<10240xf32, #tpu.memory_space<vmem_shared>> -> memref<640xf32, #tpu.memory_space<vmem_shared>>
      tpu.wait_dma2 semaphore(%run_scoped3A : memref<!tpu.dma_semaphore, #tpu.memory_space<semaphore_mem>>) src(%dma_wait3A_19 : memref<640xf32, #tpu.memory_space<vmem_shared>>) dst(%arg7 : memref<640xf32, #tpu.memory_space<vmem>>)
      tpu.yield
    }) : () -> ()
    %mul3A_16 = arith.constant 640 : i32
    %mul3A_17 = arith.muli %arg1, %mul3A_16 : i32
    "tpu.region"() ({
      %run_scoped3A = tpu.sem_alloc : memref<!tpu.dma_semaphore, #tpu.memory_space<semaphore_mem>>
      %dma_start3A = tpu.memref_slice %arg4[%arg0, %mul3A_17] : memref<2x10240xf32, #tpu.memory_space<hbm>> -> memref<1x640xf32, #tpu.memory_space<hbm>>
      %dma_start3A_18 = tpu.memref_squeeze %dma_start3A : memref<1x640xf32, #tpu.memory_space<hbm>> -> memref<640xf32, #tpu.memory_space<hbm>>
      %dma_start3A_19 = tpu.memref_slice %arg4[%arg0, %mul3A_17] : memref<2x10240xf32, #tpu.memory_space<hbm>> -> memref<1x640xf32, #tpu.memory_space<hbm>>
      %dma_start3A_20 = tpu.memref_squeeze %dma_start3A_19 : memref<1x640xf32, #tpu.memory_space<hbm>> -> memref<640xf32, #tpu.memory_space<hbm>>
      tpu.enqueue_dma source(%arg7 : memref<640xf32, #tpu.memory_space<vmem>>) target(%dma_start3A_20 : memref<640xf32, #tpu.memory_space<hbm>>) target_semaphore(%run_scoped3A : memref<!tpu.dma_semaphore, #tpu.memory_space<semaphore_mem>>)
      %dma_wait3A = tpu.memref_slice %arg4[%arg0, %mul3A_17] : memref<2x10240xf32, #tpu.memory_space<hbm>> -> memref<1x640xf32, #tpu.memory_space<hbm>>
      %dma_wait3A_21 = tpu.memref_squeeze %dma_wait3A : memref<1x640xf32, #tpu.memory_space<hbm>> -> memref<640xf32, #tpu.memory_space<hbm>>
      %dma_wait3A_22 = tpu.memref_slice %arg4[%arg0, %mul3A_17] : memref<2x10240xf32, #tpu.memory_space<hbm>> -> memref<1x640xf32, #tpu.memory_space<hbm>>
      %dma_wait3A_23 = tpu.memref_squeeze %dma_wait3A_22 : memref<1x640xf32, #tpu.memory_space<hbm>> -> memref<640xf32, #tpu.memory_space<hbm>>
      tpu.wait_dma2 semaphore(%run_scoped3A : memref<!tpu.dma_semaphore, #tpu.memory_space<semaphore_mem>>) src(%arg7 : memref<640xf32, #tpu.memory_space<vmem>>) dst(%dma_wait3A_23 : memref<640xf32, #tpu.memory_space<hbm>>)
      tpu.yield
    }) : () -> ()
    return
  }
}

#map = affine_map<(d0, d1) -> (0, 0)>
#map1 = affine_map<(d0, d1) -> (0, 0, 0)>
module attributes {stable_mosaic.version = 14 : i64} {
  func.func @_edge_body(%arg0: i32, %arg1: i32, %arg2: memref<10000x32xf32, #tpu.memory_space<hbm>>, %arg3: memref<32x125x80xi32, #tpu.memory_space<hbm>>, %arg4: memref<32x125x80xi32, #tpu.memory_space<hbm>>, %arg5: memref<32x125x80xf32, #tpu.memory_space<hbm>>, %arg6: memref<2x10240x32xf32, #tpu.memory_space<hbm>>, %arg7: memref<125x80xi32, #tpu.memory_space<vmem>>, %arg8: memref<125x80xi32, #tpu.memory_space<vmem>>, %arg9: memref<125x80xf32, #tpu.memory_space<vmem>>, %arg10: memref<80x32xf32, #tpu.memory_space<vmem>>, %arg11: memref<640x32xf32, #tpu.memory_space<vmem>>, %arg12: memref<10240x32xf32, #tpu.memory_space<vmem_shared>>, %arg13: memref<!tpu.dma_semaphore, #tpu.memory_space<semaphore_mem>>) attributes {dimension_semantics = [#tpu.dimension_semantics<core_parallel>, #tpu.dimension_semantics<subcore_parallel>], iteration_bounds = array<i64: 2, 16>, scalar_prefetch = 0 : i64, scratch_operands = 7 : i64, tpu.core_type = #tpu.core_type<sc_vector_subcore>, window_params = [{transform_indices = #map}, {transform_indices = #map1}, {transform_indices = #map1}, {transform_indices = #map1}, {transform_indices = #map1}]} {
    %mul3A = arith.constant 2 : i32
    %mul3A_0 = arith.muli %arg1, %mul3A : i32
    %add3A = arith.addi %mul3A_0, %arg0 : i32
    %broadcast_in_dim3A = arith.constant 0.000000e+00 : f32
    %broadcast_in_dim3A_1 = vector.broadcast %broadcast_in_dim3A : f32 to vector<16xf32>
    %scan3A = arith.constant 0 : i32
    %scan3A_2 = arith.constant 640 : i32
    %scan3A_3 = arith.addi %scan3A, %scan3A_2 : i32
    %scan3A_4 = arith.constant 1 : i32
    scf.for %scan3A_18 = %scan3A to %scan3A_3 step %scan3A_4  : i32 {
      %mul3A_19 = arith.constant 1 : i32
      %mul3A_20 = arith.muli %scan3A_18, %mul3A_19 : i32
      %add3A_21 = arith.constant 0 : i32
      %add3A_22 = arith.addi %add3A_21, %mul3A_20 : i32
      %swap3A = arith.index_cast %add3A_22 : i32 to index
      %swap3A_23 = arith.constant 0 : index
      %swap3A_24 = tpu.vector_load %arg11[%swap3A, %swap3A_23] {strides = array<i32>} : memref<640x32xf32, #tpu.memory_space<vmem>>, vector<1x16xf32>,
      %swap3A_25 = vector.shape_cast %swap3A_24 : vector<1x16xf32> to vector<16xf32>
      %swap3A_26 = vector.shape_cast %broadcast_in_dim3A_1 : vector<16xf32> to vector<1x16xf32>
      tpu.vector_store %arg11[%swap3A, %swap3A_23], %swap3A_26 {strides = array<i32>} : memref<640x32xf32, #tpu.memory_space<vmem>>, vector<1x16xf32>,
      %swap3A_27 = arith.index_cast %add3A_22 : i32 to index
      %swap3A_28 = arith.constant 16 : index
      %swap3A_29 = tpu.vector_load %arg11[%swap3A_27, %swap3A_28] {strides = array<i32>} : memref<640x32xf32, #tpu.memory_space<vmem>>, vector<1x16xf32>,
      %swap3A_30 = vector.shape_cast %swap3A_29 : vector<1x16xf32> to vector<16xf32>
      %swap3A_31 = vector.shape_cast %broadcast_in_dim3A_1 : vector<16xf32> to vector<1x16xf32>
      tpu.vector_store %arg11[%swap3A_27, %swap3A_28], %swap3A_31 {strides = array<i32>} : memref<640x32xf32, #tpu.memory_space<vmem>>, vector<1x16xf32>,
    }
    %scan3A_5 = arith.constant 640 : i32
    %mul3A_6 = arith.constant 640 : i32
    %mul3A_7 = arith.muli %arg1, %mul3A_6 : i32
    "tpu.region"() ({
      %run_scoped3A = tpu.sem_alloc : memref<!tpu.dma_semaphore, #tpu.memory_space<semaphore_mem>>
      %dma_start3A = arith.constant 0 : i32
      %dma_start3A_18 = tpu.memref_slice %arg12[%mul3A_7, %dma_start3A] : memref<10240x32xf32, #tpu.memory_space<vmem_shared>> -> memref<640x32xf32, #tpu.memory_space<vmem_shared>>
      %dma_start3A_19 = arith.constant 0 : i32
      %dma_start3A_20 = tpu.memref_slice %arg12[%mul3A_7, %dma_start3A_19] : memref<10240x32xf32, #tpu.memory_space<vmem_shared>> -> memref<640x32xf32, #tpu.memory_space<vmem_shared>>
      tpu.enqueue_dma source(%arg11 : memref<640x32xf32, #tpu.memory_space<vmem>>) target(%dma_start3A_20 : memref<640x32xf32, #tpu.memory_space<vmem_shared>>) target_semaphore(%run_scoped3A : memref<!tpu.dma_semaphore, #tpu.memory_space<semaphore_mem>>)
      %dma_wait3A = arith.constant 0 : i32
      %dma_wait3A_21 = tpu.memref_slice %arg12[%mul3A_7, %dma_wait3A] : memref<10240x32xf32, #tpu.memory_space<vmem_shared>> -> memref<640x32xf32, #tpu.memory_space<vmem_shared>>
      %dma_wait3A_22 = arith.constant 0 : i32
      %dma_wait3A_23 = tpu.memref_slice %arg12[%mul3A_7, %dma_wait3A_22] : memref<10240x32xf32, #tpu.memory_space<vmem_shared>> -> memref<640x32xf32, #tpu.memory_space<vmem_shared>>
      tpu.wait_dma2 semaphore(%run_scoped3A : memref<!tpu.dma_semaphore, #tpu.memory_space<semaphore_mem>>) src(%arg11 : memref<640x32xf32, #tpu.memory_space<vmem>>) dst(%dma_wait3A_23 : memref<640x32xf32, #tpu.memory_space<vmem_shared>>)
      tpu.yield
    }) : () -> ()
    %barrier3A = arith.constant 0 : index
    tpu.barrier barrier_id(%barrier3A)
    "tpu.region"() ({
      %run_scoped3A = tpu.sem_alloc : memref<!tpu.dma_semaphore, #tpu.memory_space<semaphore_mem>>
      %dma_start3A = arith.constant 0 : i32
      %dma_start3A_18 = arith.constant 0 : i32
      %dma_start3A_19 = tpu.memref_slice %arg3[%add3A, %dma_start3A, %dma_start3A_18] : memref<32x125x80xi32, #tpu.memory_space<hbm>> -> memref<1x125x80xi32, #tpu.memory_space<hbm>>
      %dma_start3A_20 = tpu.memref_squeeze %dma_start3A_19 : memref<1x125x80xi32, #tpu.memory_space<hbm>> -> memref<125x80xi32, #tpu.memory_space<hbm>>
      %dma_start3A_21 = arith.constant 0 : i32
      %dma_start3A_22 = arith.constant 0 : i32
      %dma_start3A_23 = tpu.memref_slice %arg3[%add3A, %dma_start3A_21, %dma_start3A_22] : memref<32x125x80xi32, #tpu.memory_space<hbm>> -> memref<1x125x80xi32, #tpu.memory_space<hbm>>
      %dma_start3A_24 = tpu.memref_squeeze %dma_start3A_23 : memref<1x125x80xi32, #tpu.memory_space<hbm>> -> memref<125x80xi32, #tpu.memory_space<hbm>>
      tpu.enqueue_dma source(%dma_start3A_24 : memref<125x80xi32, #tpu.memory_space<hbm>>) target(%arg7 : memref<125x80xi32, #tpu.memory_space<vmem>>) target_semaphore(%run_scoped3A : memref<!tpu.dma_semaphore, #tpu.memory_space<semaphore_mem>>)
      %dma_wait3A = arith.constant 0 : i32
      %dma_wait3A_25 = arith.constant 0 : i32
      %dma_wait3A_26 = tpu.memref_slice %arg3[%add3A, %dma_wait3A, %dma_wait3A_25] : memref<32x125x80xi32, #tpu.memory_space<hbm>> -> memref<1x125x80xi32, #tpu.memory_space<hbm>>
      %dma_wait3A_27 = tpu.memref_squeeze %dma_wait3A_26 : memref<1x125x80xi32, #tpu.memory_space<hbm>> -> memref<125x80xi32, #tpu.memory_space<hbm>>
      %dma_wait3A_28 = arith.constant 0 : i32
      %dma_wait3A_29 = arith.constant 0 : i32
      %dma_wait3A_30 = tpu.memref_slice %arg3[%add3A, %dma_wait3A_28, %dma_wait3A_29] : memref<32x125x80xi32, #tpu.memory_space<hbm>> -> memref<1x125x80xi32, #tpu.memory_space<hbm>>
      %dma_wait3A_31 = tpu.memref_squeeze %dma_wait3A_30 : memref<1x125x80xi32, #tpu.memory_space<hbm>> -> memref<125x80xi32, #tpu.memory_space<hbm>>
      tpu.wait_dma2 semaphore(%run_scoped3A : memref<!tpu.dma_semaphore, #tpu.memory_space<semaphore_mem>>) src(%dma_wait3A_31 : memref<125x80xi32, #tpu.memory_space<hbm>>) dst(%arg7 : memref<125x80xi32, #tpu.memory_space<vmem>>)
      tpu.yield
    }) : () -> ()
    "tpu.region"() ({
      %run_scoped3A = tpu.sem_alloc : memref<!tpu.dma_semaphore, #tpu.memory_space<semaphore_mem>>
      %dma_start3A = arith.constant 0 : i32
      %dma_start3A_18 = arith.constant 0 : i32
      %dma_start3A_19 = tpu.memref_slice %arg4[%add3A, %dma_start3A, %dma_start3A_18] : memref<32x125x80xi32, #tpu.memory_space<hbm>> -> memref<1x125x80xi32, #tpu.memory_space<hbm>>
      %dma_start3A_20 = tpu.memref_squeeze %dma_start3A_19 : memref<1x125x80xi32, #tpu.memory_space<hbm>> -> memref<125x80xi32, #tpu.memory_space<hbm>>
      %dma_start3A_21 = arith.constant 0 : i32
      %dma_start3A_22 = arith.constant 0 : i32
      %dma_start3A_23 = tpu.memref_slice %arg4[%add3A, %dma_start3A_21, %dma_start3A_22] : memref<32x125x80xi32, #tpu.memory_space<hbm>> -> memref<1x125x80xi32, #tpu.memory_space<hbm>>
      %dma_start3A_24 = tpu.memref_squeeze %dma_start3A_23 : memref<1x125x80xi32, #tpu.memory_space<hbm>> -> memref<125x80xi32, #tpu.memory_space<hbm>>
      tpu.enqueue_dma source(%dma_start3A_24 : memref<125x80xi32, #tpu.memory_space<hbm>>) target(%arg8 : memref<125x80xi32, #tpu.memory_space<vmem>>) target_semaphore(%run_scoped3A : memref<!tpu.dma_semaphore, #tpu.memory_space<semaphore_mem>>)
      %dma_wait3A = arith.constant 0 : i32
      %dma_wait3A_25 = arith.constant 0 : i32
      %dma_wait3A_26 = tpu.memref_slice %arg4[%add3A, %dma_wait3A, %dma_wait3A_25] : memref<32x125x80xi32, #tpu.memory_space<hbm>> -> memref<1x125x80xi32, #tpu.memory_space<hbm>>
      %dma_wait3A_27 = tpu.memref_squeeze %dma_wait3A_26 : memref<1x125x80xi32, #tpu.memory_space<hbm>> -> memref<125x80xi32, #tpu.memory_space<hbm>>
      %dma_wait3A_28 = arith.constant 0 : i32
      %dma_wait3A_29 = arith.constant 0 : i32
      %dma_wait3A_30 = tpu.memref_slice %arg4[%add3A, %dma_wait3A_28, %dma_wait3A_29] : memref<32x125x80xi32, #tpu.memory_space<hbm>> -> memref<1x125x80xi32, #tpu.memory_space<hbm>>
      %dma_wait3A_31 = tpu.memref_squeeze %dma_wait3A_30 : memref<1x125x80xi32, #tpu.memory_space<hbm>> -> memref<125x80xi32, #tpu.memory_space<hbm>>
      tpu.wait_dma2 semaphore(%run_scoped3A : memref<!tpu.dma_semaphore, #tpu.memory_space<semaphore_mem>>) src(%dma_wait3A_31 : memref<125x80xi32, #tpu.memory_space<hbm>>) dst(%arg8 : memref<125x80xi32, #tpu.memory_space<vmem>>)
      tpu.yield
    }) : () -> ()
    "tpu.region"() ({
      %run_scoped3A = tpu.sem_alloc : memref<!tpu.dma_semaphore, #tpu.memory_space<semaphore_mem>>
      %dma_start3A = arith.constant 0 : i32
      %dma_start3A_18 = arith.constant 0 : i32
      %dma_start3A_19 = tpu.memref_slice %arg5[%add3A, %dma_start3A, %dma_start3A_18] : memref<32x125x80xf32, #tpu.memory_space<hbm>> -> memref<1x125x80xf32, #tpu.memory_space<hbm>>
      %dma_start3A_20 = tpu.memref_squeeze %dma_start3A_19 : memref<1x125x80xf32, #tpu.memory_space<hbm>> -> memref<125x80xf32, #tpu.memory_space<hbm>>
      %dma_start3A_21 = arith.constant 0 : i32
      %dma_start3A_22 = arith.constant 0 : i32
      %dma_start3A_23 = tpu.memref_slice %arg5[%add3A, %dma_start3A_21, %dma_start3A_22] : memref<32x125x80xf32, #tpu.memory_space<hbm>> -> memref<1x125x80xf32, #tpu.memory_space<hbm>>
      %dma_start3A_24 = tpu.memref_squeeze %dma_start3A_23 : memref<1x125x80xf32, #tpu.memory_space<hbm>> -> memref<125x80xf32, #tpu.memory_space<hbm>>
      tpu.enqueue_dma source(%dma_start3A_24 : memref<125x80xf32, #tpu.memory_space<hbm>>) target(%arg9 : memref<125x80xf32, #tpu.memory_space<vmem>>) target_semaphore(%run_scoped3A : memref<!tpu.dma_semaphore, #tpu.memory_space<semaphore_mem>>)
      %dma_wait3A = arith.constant 0 : i32
      %dma_wait3A_25 = arith.constant 0 : i32
      %dma_wait3A_26 = tpu.memref_slice %arg5[%add3A, %dma_wait3A, %dma_wait3A_25] : memref<32x125x80xf32, #tpu.memory_space<hbm>> -> memref<1x125x80xf32, #tpu.memory_space<hbm>>
      %dma_wait3A_27 = tpu.memref_squeeze %dma_wait3A_26 : memref<1x125x80xf32, #tpu.memory_space<hbm>> -> memref<125x80xf32, #tpu.memory_space<hbm>>
      %dma_wait3A_28 = arith.constant 0 : i32
      %dma_wait3A_29 = arith.constant 0 : i32
      %dma_wait3A_30 = tpu.memref_slice %arg5[%add3A, %dma_wait3A_28, %dma_wait3A_29] : memref<32x125x80xf32, #tpu.memory_space<hbm>> -> memref<1x125x80xf32, #tpu.memory_space<hbm>>
      %dma_wait3A_31 = tpu.memref_squeeze %dma_wait3A_30 : memref<1x125x80xf32, #tpu.memory_space<hbm>> -> memref<125x80xf32, #tpu.memory_space<hbm>>
      tpu.wait_dma2 semaphore(%run_scoped3A : memref<!tpu.dma_semaphore, #tpu.memory_space<semaphore_mem>>) src(%dma_wait3A_31 : memref<125x80xf32, #tpu.memory_space<hbm>>) dst(%arg9 : memref<125x80xf32, #tpu.memory_space<vmem>>)
      tpu.yield
    }) : () -> ()
    %scan3A_8 = arith.constant 0 : i32
    %scan3A_9 = arith.constant 125 : i32
    %scan3A_10 = arith.addi %scan3A_8, %scan3A_9 : i32
    %scan3A_11 = arith.constant 1 : i32
    scf.for %scan3A_18 = %scan3A_8 to %scan3A_10 step %scan3A_11  : i32 {
      %mul3A_19 = arith.constant 1 : i32
      %mul3A_20 = arith.muli %scan3A_18, %mul3A_19 : i32
      %add3A_21 = arith.constant 0 : i32
      %add3A_22 = arith.addi %add3A_21, %mul3A_20 : i32
      %dma_start3A = arith.constant 0 : i32
      %dma_start3A_23 = tpu.memref_slice %arg7[%add3A_22, %dma_start3A] : memref<125x80xi32, #tpu.memory_space<vmem>> -> memref<1x80xi32, #tpu.memory_space<vmem>>
      %dma_start3A_24 = tpu.memref_squeeze %dma_start3A_23 : memref<1x80xi32, #tpu.memory_space<vmem>> -> memref<80xi32, #tpu.memory_space<vmem>>
      %dma_start3A_25 = arith.constant 0 : i32
      %dma_start3A_26 = arith.constant 0 : i32
      %dma_start3A_27 = tpu.memref_slice %arg2[%dma_start3A_25, %dma_start3A_26] : memref<10000x32xf32, #tpu.memory_space<hbm>> -> memref<10000x32xf32, #tpu.memory_space<hbm>>
      tpu.enqueue_indirect_dma source(%dma_start3A_27 : memref<10000x32xf32, #tpu.memory_space<hbm>>) target(%arg10 : memref<80x32xf32, #tpu.memory_space<vmem>>) offsets(%dma_start3A_24 : memref<80xi32, #tpu.memory_space<vmem>>) semaphore(%arg13 : memref<!tpu.dma_semaphore, #tpu.memory_space<semaphore_mem>>)
      %dma_wait3A = arith.constant 0 : i32
      %dma_wait3A_28 = tpu.memref_slice %arg7[%add3A_22, %dma_wait3A] : memref<125x80xi32, #tpu.memory_space<vmem>> -> memref<1x80xi32, #tpu.memory_space<vmem>>
      %dma_wait3A_29 = tpu.memref_squeeze %dma_wait3A_28 : memref<1x80xi32, #tpu.memory_space<vmem>> -> memref<80xi32, #tpu.memory_space<vmem>>
      %dma_wait3A_30 = arith.constant 0 : i32
      %dma_wait3A_31 = arith.constant 0 : i32
      %dma_wait3A_32 = tpu.memref_slice %arg2[%dma_wait3A_30, %dma_wait3A_31] : memref<10000x32xf32, #tpu.memory_space<hbm>> -> memref<10000x32xf32, #tpu.memory_space<hbm>>
      tpu.wait_indirect_dma semaphore(%arg13 : memref<!tpu.dma_semaphore, #tpu.memory_space<semaphore_mem>>) src(%dma_wait3A_32 : memref<10000x32xf32, #tpu.memory_space<hbm>>) dst(%arg10 : memref<80x32xf32, #tpu.memory_space<vmem>>)
      %scan3A_33 = arith.constant 0 : i32
      %scan3A_34 = arith.constant 5 : i32
      %scan3A_35 = arith.addi %scan3A_33, %scan3A_34 : i32
      %scan3A_36 = arith.constant 1 : i32
      scf.for %scan3A_38 = %scan3A_33 to %scan3A_35 step %scan3A_36  : i32 {
        %mul3A_39 = arith.constant 1 : i32
        %mul3A_40 = arith.muli %scan3A_38, %mul3A_39 : i32
        %add3A_41 = arith.constant 0 : i32
        %add3A_42 = arith.addi %add3A_41, %mul3A_40 : i32
        %mul3A_43 = arith.constant 16 : i32
        %mul3A_44 = arith.muli %add3A_42, %mul3A_43 : i32
        %get3A = arith.index_cast %add3A_22 : i32 to index
        %get3A_45 = arith.index_cast %mul3A_44 : i32 to index
        %get3A_46 = tpu.vector_load %arg9[%get3A, %get3A_45] {strides = array<i32>} : memref<125x80xf32, #tpu.memory_space<vmem>>, vector<1x16xf32>,
        %get3A_47 = vector.shape_cast %get3A_46 : vector<1x16xf32> to vector<16xf32>
        %mul3A_48 = arith.constant 16 : i32
        %mul3A_49 = arith.muli %add3A_42, %mul3A_48 : i32
        %add3A_50 = arith.constant 0 : i32
        %add3A_51 = arith.addi %mul3A_49, %add3A_50 : i32
        %slice3A = vector.extract_strided_slice %get3A_47 {offsets = [0], sizes = [1], strides = [1]} : vector<16xf32> to vector<1xf32>
        %squeeze3A = vector.extract %slice3A[0] : f32 from vector<1xf32>
        %get3A_52 = arith.index_cast %add3A_51 : i32 to index
        %get3A_53 = arith.constant 0 : index
        %get3A_54 = tpu.vector_load %arg10[%get3A_52, %get3A_53] {strides = array<i32>} : memref<80x32xf32, #tpu.memory_space<vmem>>, vector<1x16xf32>,
        %get3A_55 = vector.shape_cast %get3A_54 : vector<1x16xf32> to vector<16xf32>
        %mul3A_56 = vector.broadcast %squeeze3A : f32 to vector<16xf32>
        %mul3A_57 = arith.mulf %get3A_55, %mul3A_56 : vector<16xf32>
        %swap3A = arith.index_cast %add3A_51 : i32 to index
        %swap3A_58 = arith.constant 0 : index
        %swap3A_59 = tpu.vector_load %arg10[%swap3A, %swap3A_58] {strides = array<i32>} : memref<80x32xf32, #tpu.memory_space<vmem>>, vector<1x16xf32>,
        %swap3A_60 = vector.shape_cast %swap3A_59 : vector<1x16xf32> to vector<16xf32>
        %swap3A_61 = vector.shape_cast %mul3A_57 : vector<16xf32> to vector<1x16xf32>
        tpu.vector_store %arg10[%swap3A, %swap3A_58], %swap3A_61 {strides = array<i32>} : memref<80x32xf32, #tpu.memory_space<vmem>>, vector<1x16xf32>,
        %get3A_62 = arith.index_cast %add3A_51 : i32 to index
        %get3A_63 = arith.constant 16 : index
        %get3A_64 = tpu.vector_load %arg10[%get3A_62, %get3A_63] {strides = array<i32>} : memref<80x32xf32, #tpu.memory_space<vmem>>, vector<1x16xf32>,
        %get3A_65 = vector.shape_cast %get3A_64 : vector<1x16xf32> to vector<16xf32>
        %mul3A_66 = vector.broadcast %squeeze3A : f32 to vector<16xf32>
        %mul3A_67 = arith.mulf %get3A_65, %mul3A_66 : vector<16xf32>
        %swap3A_68 = arith.index_cast %add3A_51 : i32 to index
        %swap3A_69 = arith.constant 16 : index
        %swap3A_70 = tpu.vector_load %arg10[%swap3A_68, %swap3A_69] {strides = array<i32>} : memref<80x32xf32, #tpu.memory_space<vmem>>, vector<1x16xf32>,
        %swap3A_71 = vector.shape_cast %swap3A_70 : vector<1x16xf32> to vector<16xf32>
        %swap3A_72 = vector.shape_cast %mul3A_67 : vector<16xf32> to vector<1x16xf32>
        tpu.vector_store %arg10[%swap3A_68, %swap3A_69], %swap3A_72 {strides = array<i32>} : memref<80x32xf32, #tpu.memory_space<vmem>>, vector<1x16xf32>,
        %mul3A_73 = arith.constant 16 : i32
        %mul3A_74 = arith.muli %add3A_42, %mul3A_73 : i32
        %add3A_75 = arith.constant 1 : i32
        %add3A_76 = arith.addi %mul3A_74, %add3A_75 : i32
        %slice3A_77 = vector.extract_strided_slice %get3A_47 {offsets = [1], sizes = [1], strides = [1]} : vector<16xf32> to vector<1xf32>
        %squeeze3A_78 = vector.extract %slice3A_77[0] : f32 from vector<1xf32>
        %get3A_79 = arith.index_cast %add3A_76 : i32 to index
        %get3A_80 = arith.constant 0 : index
        %get3A_81 = tpu.vector_load %arg10[%get3A_79, %get3A_80] {strides = array<i32>} : memref<80x32xf32, #tpu.memory_space<vmem>>, vector<1x16xf32>,
        %get3A_82 = vector.shape_cast %get3A_81 : vector<1x16xf32> to vector<16xf32>
        %mul3A_83 = vector.broadcast %squeeze3A_78 : f32 to vector<16xf32>
        %mul3A_84 = arith.mulf %get3A_82, %mul3A_83 : vector<16xf32>
        %swap3A_85 = arith.index_cast %add3A_76 : i32 to index
        %swap3A_86 = arith.constant 0 : index
        %swap3A_87 = tpu.vector_load %arg10[%swap3A_85, %swap3A_86] {strides = array<i32>} : memref<80x32xf32, #tpu.memory_space<vmem>>, vector<1x16xf32>,
        %swap3A_88 = vector.shape_cast %swap3A_87 : vector<1x16xf32> to vector<16xf32>
        %swap3A_89 = vector.shape_cast %mul3A_84 : vector<16xf32> to vector<1x16xf32>
        tpu.vector_store %arg10[%swap3A_85, %swap3A_86], %swap3A_89 {strides = array<i32>} : memref<80x32xf32, #tpu.memory_space<vmem>>, vector<1x16xf32>,
        %get3A_90 = arith.index_cast %add3A_76 : i32 to index
        %get3A_91 = arith.constant 16 : index
        %get3A_92 = tpu.vector_load %arg10[%get3A_90, %get3A_91] {strides = array<i32>} : memref<80x32xf32, #tpu.memory_space<vmem>>, vector<1x16xf32>,
        %get3A_93 = vector.shape_cast %get3A_92 : vector<1x16xf32> to vector<16xf32>
        %mul3A_94 = vector.broadcast %squeeze3A_78 : f32 to vector<16xf32>
        %mul3A_95 = arith.mulf %get3A_93, %mul3A_94 : vector<16xf32>
        %swap3A_96 = arith.index_cast %add3A_76 : i32 to index
        %swap3A_97 = arith.constant 16 : index
        %swap3A_98 = tpu.vector_load %arg10[%swap3A_96, %swap3A_97] {strides = array<i32>} : memref<80x32xf32, #tpu.memory_space<vmem>>, vector<1x16xf32>,
        %swap3A_99 = vector.shape_cast %swap3A_98 : vector<1x16xf32> to vector<16xf32>
        %swap3A_100 = vector.shape_cast %mul3A_95 : vector<16xf32> to vector<1x16xf32>
        tpu.vector_store %arg10[%swap3A_96, %swap3A_97], %swap3A_100 {strides = array<i32>} : memref<80x32xf32, #tpu.memory_space<vmem>>, vector<1x16xf32>,
        %mul3A_101 = arith.constant 16 : i32
        %mul3A_102 = arith.muli %add3A_42, %mul3A_101 : i32
        %add3A_103 = arith.constant 2 : i32
        %add3A_104 = arith.addi %mul3A_102, %add3A_103 : i32
        %slice3A_105 = vector.extract_strided_slice %get3A_47 {offsets = [2], sizes = [1], strides = [1]} : vector<16xf32> to vector<1xf32>
        %squeeze3A_106 = vector.extract %slice3A_105[0] : f32 from vector<1xf32>
        %get3A_107 = arith.index_cast %add3A_104 : i32 to index
        %get3A_108 = arith.constant 0 : index
        %get3A_109 = tpu.vector_load %arg10[%get3A_107, %get3A_108] {strides = array<i32>} : memref<80x32xf32, #tpu.memory_space<vmem>>, vector<1x16xf32>,
        %get3A_110 = vector.shape_cast %get3A_109 : vector<1x16xf32> to vector<16xf32>
        %mul3A_111 = vector.broadcast %squeeze3A_106 : f32 to vector<16xf32>
        %mul3A_112 = arith.mulf %get3A_110, %mul3A_111 : vector<16xf32>
        %swap3A_113 = arith.index_cast %add3A_104 : i32 to index
        %swap3A_114 = arith.constant 0 : index
        %swap3A_115 = tpu.vector_load %arg10[%swap3A_113, %swap3A_114] {strides = array<i32>} : memref<80x32xf32, #tpu.memory_space<vmem>>, vector<1x16xf32>,
        %swap3A_116 = vector.shape_cast %swap3A_115 : vector<1x16xf32> to vector<16xf32>
        %swap3A_117 = vector.shape_cast %mul3A_112 : vector<16xf32> to vector<1x16xf32>
        tpu.vector_store %arg10[%swap3A_113, %swap3A_114], %swap3A_117 {strides = array<i32>} : memref<80x32xf32, #tpu.memory_space<vmem>>, vector<1x16xf32>,
        %get3A_118 = arith.index_cast %add3A_104 : i32 to index
        %get3A_119 = arith.constant 16 : index
        %get3A_120 = tpu.vector_load %arg10[%get3A_118, %get3A_119] {strides = array<i32>} : memref<80x32xf32, #tpu.memory_space<vmem>>, vector<1x16xf32>,
        %get3A_121 = vector.shape_cast %get3A_120 : vector<1x16xf32> to vector<16xf32>
        %mul3A_122 = vector.broadcast %squeeze3A_106 : f32 to vector<16xf32>
        %mul3A_123 = arith.mulf %get3A_121, %mul3A_122 : vector<16xf32>
        %swap3A_124 = arith.index_cast %add3A_104 : i32 to index
        %swap3A_125 = arith.constant 16 : index
        %swap3A_126 = tpu.vector_load %arg10[%swap3A_124, %swap3A_125] {strides = array<i32>} : memref<80x32xf32, #tpu.memory_space<vmem>>, vector<1x16xf32>,
        %swap3A_127 = vector.shape_cast %swap3A_126 : vector<1x16xf32> to vector<16xf32>
        %swap3A_128 = vector.shape_cast %mul3A_123 : vector<16xf32> to vector<1x16xf32>
        tpu.vector_store %arg10[%swap3A_124, %swap3A_125], %swap3A_128 {strides = array<i32>} : memref<80x32xf32, #tpu.memory_space<vmem>>, vector<1x16xf32>,
        %mul3A_129 = arith.constant 16 : i32
        %mul3A_130 = arith.muli %add3A_42, %mul3A_129 : i32
        %add3A_131 = arith.constant 3 : i32
        %add3A_132 = arith.addi %mul3A_130, %add3A_131 : i32
        %slice3A_133 = vector.extract_strided_slice %get3A_47 {offsets = [3], sizes = [1], strides = [1]} : vector<16xf32> to vector<1xf32>
        %squeeze3A_134 = vector.extract %slice3A_133[0] : f32 from vector<1xf32>
        %get3A_135 = arith.index_cast %add3A_132 : i32 to index
        %get3A_136 = arith.constant 0 : index
        %get3A_137 = tpu.vector_load %arg10[%get3A_135, %get3A_136] {strides = array<i32>} : memref<80x32xf32, #tpu.memory_space<vmem>>, vector<1x16xf32>,
        %get3A_138 = vector.shape_cast %get3A_137 : vector<1x16xf32> to vector<16xf32>
        %mul3A_139 = vector.broadcast %squeeze3A_134 : f32 to vector<16xf32>
        %mul3A_140 = arith.mulf %get3A_138, %mul3A_139 : vector<16xf32>
        %swap3A_141 = arith.index_cast %add3A_132 : i32 to index
        %swap3A_142 = arith.constant 0 : index
        %swap3A_143 = tpu.vector_load %arg10[%swap3A_141, %swap3A_142] {strides = array<i32>} : memref<80x32xf32, #tpu.memory_space<vmem>>, vector<1x16xf32>,
        %swap3A_144 = vector.shape_cast %swap3A_143 : vector<1x16xf32> to vector<16xf32>
        %swap3A_145 = vector.shape_cast %mul3A_140 : vector<16xf32> to vector<1x16xf32>
        tpu.vector_store %arg10[%swap3A_141, %swap3A_142], %swap3A_145 {strides = array<i32>} : memref<80x32xf32, #tpu.memory_space<vmem>>, vector<1x16xf32>,
        %get3A_146 = arith.index_cast %add3A_132 : i32 to index
        %get3A_147 = arith.constant 16 : index
        %get3A_148 = tpu.vector_load %arg10[%get3A_146, %get3A_147] {strides = array<i32>} : memref<80x32xf32, #tpu.memory_space<vmem>>, vector<1x16xf32>,
        %get3A_149 = vector.shape_cast %get3A_148 : vector<1x16xf32> to vector<16xf32>
        %mul3A_150 = vector.broadcast %squeeze3A_134 : f32 to vector<16xf32>
        %mul3A_151 = arith.mulf %get3A_149, %mul3A_150 : vector<16xf32>
        %swap3A_152 = arith.index_cast %add3A_132 : i32 to index
        %swap3A_153 = arith.constant 16 : index
        %swap3A_154 = tpu.vector_load %arg10[%swap3A_152, %swap3A_153] {strides = array<i32>} : memref<80x32xf32, #tpu.memory_space<vmem>>, vector<1x16xf32>,
        %swap3A_155 = vector.shape_cast %swap3A_154 : vector<1x16xf32> to vector<16xf32>
        %swap3A_156 = vector.shape_cast %mul3A_151 : vector<16xf32> to vector<1x16xf32>
        tpu.vector_store %arg10[%swap3A_152, %swap3A_153], %swap3A_156 {strides = array<i32>} : memref<80x32xf32, #tpu.memory_space<vmem>>, vector<1x16xf32>,
        %mul3A_157 = arith.constant 16 : i32
        %mul3A_158 = arith.muli %add3A_42, %mul3A_157 : i32
        %add3A_159 = arith.constant 4 : i32
        %add3A_160 = arith.addi %mul3A_158, %add3A_159 : i32
        %slice3A_161 = vector.extract_strided_slice %get3A_47 {offsets = [4], sizes = [1], strides = [1]} : vector<16xf32> to vector<1xf32>
        %squeeze3A_162 = vector.extract %slice3A_161[0] : f32 from vector<1xf32>
        %get3A_163 = arith.index_cast %add3A_160 : i32 to index
        %get3A_164 = arith.constant 0 : index
        %get3A_165 = tpu.vector_load %arg10[%get3A_163, %get3A_164] {strides = array<i32>} : memref<80x32xf32, #tpu.memory_space<vmem>>, vector<1x16xf32>,
        %get3A_166 = vector.shape_cast %get3A_165 : vector<1x16xf32> to vector<16xf32>
        %mul3A_167 = vector.broadcast %squeeze3A_162 : f32 to vector<16xf32>
        %mul3A_168 = arith.mulf %get3A_166, %mul3A_167 : vector<16xf32>
        %swap3A_169 = arith.index_cast %add3A_160 : i32 to index
        %swap3A_170 = arith.constant 0 : index
        %swap3A_171 = tpu.vector_load %arg10[%swap3A_169, %swap3A_170] {strides = array<i32>} : memref<80x32xf32, #tpu.memory_space<vmem>>, vector<1x16xf32>,
        %swap3A_172 = vector.shape_cast %swap3A_171 : vector<1x16xf32> to vector<16xf32>
        %swap3A_173 = vector.shape_cast %mul3A_168 : vector<16xf32> to vector<1x16xf32>
        tpu.vector_store %arg10[%swap3A_169, %swap3A_170], %swap3A_173 {strides = array<i32>} : memref<80x32xf32, #tpu.memory_space<vmem>>, vector<1x16xf32>,
        %get3A_174 = arith.index_cast %add3A_160 : i32 to index
        %get3A_175 = arith.constant 16 : index
        %get3A_176 = tpu.vector_load %arg10[%get3A_174, %get3A_175] {strides = array<i32>} : memref<80x32xf32, #tpu.memory_space<vmem>>, vector<1x16xf32>,
        %get3A_177 = vector.shape_cast %get3A_176 : vector<1x16xf32> to vector<16xf32>
        %mul3A_178 = vector.broadcast %squeeze3A_162 : f32 to vector<16xf32>
        %mul3A_179 = arith.mulf %get3A_177, %mul3A_178 : vector<16xf32>
        %swap3A_180 = arith.index_cast %add3A_160 : i32 to index
        %swap3A_181 = arith.constant 16 : index
        %swap3A_182 = tpu.vector_load %arg10[%swap3A_180, %swap3A_181] {strides = array<i32>} : memref<80x32xf32, #tpu.memory_space<vmem>>, vector<1x16xf32>,
        %swap3A_183 = vector.shape_cast %swap3A_182 : vector<1x16xf32> to vector<16xf32>
        %swap3A_184 = vector.shape_cast %mul3A_179 : vector<16xf32> to vector<1x16xf32>
        tpu.vector_store %arg10[%swap3A_180, %swap3A_181], %swap3A_184 {strides = array<i32>} : memref<80x32xf32, #tpu.memory_space<vmem>>, vector<1x16xf32>,
        %mul3A_185 = arith.constant 16 : i32
        %mul3A_186 = arith.muli %add3A_42, %mul3A_185 : i32
        %add3A_187 = arith.constant 5 : i32
        %add3A_188 = arith.addi %mul3A_186, %add3A_187 : i32
        %slice3A_189 = vector.extract_strided_slice %get3A_47 {offsets = [5], sizes = [1], strides = [1]} : vector<16xf32> to vector<1xf32>
        %squeeze3A_190 = vector.extract %slice3A_189[0] : f32 from vector<1xf32>
        %get3A_191 = arith.index_cast %add3A_188 : i32 to index
        %get3A_192 = arith.constant 0 : index
        %get3A_193 = tpu.vector_load %arg10[%get3A_191, %get3A_192] {strides = array<i32>} : memref<80x32xf32, #tpu.memory_space<vmem>>, vector<1x16xf32>,
        %get3A_194 = vector.shape_cast %get3A_193 : vector<1x16xf32> to vector<16xf32>
        %mul3A_195 = vector.broadcast %squeeze3A_190 : f32 to vector<16xf32>
        %mul3A_196 = arith.mulf %get3A_194, %mul3A_195 : vector<16xf32>
        %swap3A_197 = arith.index_cast %add3A_188 : i32 to index
        %swap3A_198 = arith.constant 0 : index
        %swap3A_199 = tpu.vector_load %arg10[%swap3A_197, %swap3A_198] {strides = array<i32>} : memref<80x32xf32, #tpu.memory_space<vmem>>, vector<1x16xf32>,
        %swap3A_200 = vector.shape_cast %swap3A_199 : vector<1x16xf32> to vector<16xf32>
        %swap3A_201 = vector.shape_cast %mul3A_196 : vector<16xf32> to vector<1x16xf32>
        tpu.vector_store %arg10[%swap3A_197, %swap3A_198], %swap3A_201 {strides = array<i32>} : memref<80x32xf32, #tpu.memory_space<vmem>>, vector<1x16xf32>,
        %get3A_202 = arith.index_cast %add3A_188 : i32 to index
        %get3A_203 = arith.constant 16 : index
        %get3A_204 = tpu.vector_load %arg10[%get3A_202, %get3A_203] {strides = array<i32>} : memref<80x32xf32, #tpu.memory_space<vmem>>, vector<1x16xf32>,
        %get3A_205 = vector.shape_cast %get3A_204 : vector<1x16xf32> to vector<16xf32>
        %mul3A_206 = vector.broadcast %squeeze3A_190 : f32 to vector<16xf32>
        %mul3A_207 = arith.mulf %get3A_205, %mul3A_206 : vector<16xf32>
        %swap3A_208 = arith.index_cast %add3A_188 : i32 to index
        %swap3A_209 = arith.constant 16 : index
        %swap3A_210 = tpu.vector_load %arg10[%swap3A_208, %swap3A_209] {strides = array<i32>} : memref<80x32xf32, #tpu.memory_space<vmem>>, vector<1x16xf32>,
        %swap3A_211 = vector.shape_cast %swap3A_210 : vector<1x16xf32> to vector<16xf32>
        %swap3A_212 = vector.shape_cast %mul3A_207 : vector<16xf32> to vector<1x16xf32>
        tpu.vector_store %arg10[%swap3A_208, %swap3A_209], %swap3A_212 {strides = array<i32>} : memref<80x32xf32, #tpu.memory_space<vmem>>, vector<1x16xf32>,
        %mul3A_213 = arith.constant 16 : i32
        %mul3A_214 = arith.muli %add3A_42, %mul3A_213 : i32
        %add3A_215 = arith.constant 6 : i32
        %add3A_216 = arith.addi %mul3A_214, %add3A_215 : i32
        %slice3A_217 = vector.extract_strided_slice %get3A_47 {offsets = [6], sizes = [1], strides = [1]} : vector<16xf32> to vector<1xf32>
        %squeeze3A_218 = vector.extract %slice3A_217[0] : f32 from vector<1xf32>
        %get3A_219 = arith.index_cast %add3A_216 : i32 to index
        %get3A_220 = arith.constant 0 : index
        %get3A_221 = tpu.vector_load %arg10[%get3A_219, %get3A_220] {strides = array<i32>} : memref<80x32xf32, #tpu.memory_space<vmem>>, vector<1x16xf32>,
        %get3A_222 = vector.shape_cast %get3A_221 : vector<1x16xf32> to vector<16xf32>
        %mul3A_223 = vector.broadcast %squeeze3A_218 : f32 to vector<16xf32>
        %mul3A_224 = arith.mulf %get3A_222, %mul3A_223 : vector<16xf32>
        %swap3A_225 = arith.index_cast %add3A_216 : i32 to index
        %swap3A_226 = arith.constant 0 : index
        %swap3A_227 = tpu.vector_load %arg10[%swap3A_225, %swap3A_226] {strides = array<i32>} : memref<80x32xf32, #tpu.memory_space<vmem>>, vector<1x16xf32>,
        %swap3A_228 = vector.shape_cast %swap3A_227 : vector<1x16xf32> to vector<16xf32>
        %swap3A_229 = vector.shape_cast %mul3A_224 : vector<16xf32> to vector<1x16xf32>
        tpu.vector_store %arg10[%swap3A_225, %swap3A_226], %swap3A_229 {strides = array<i32>} : memref<80x32xf32, #tpu.memory_space<vmem>>, vector<1x16xf32>,
        %get3A_230 = arith.index_cast %add3A_216 : i32 to index
        %get3A_231 = arith.constant 16 : index
        %get3A_232 = tpu.vector_load %arg10[%get3A_230, %get3A_231] {strides = array<i32>} : memref<80x32xf32, #tpu.memory_space<vmem>>, vector<1x16xf32>,
        %get3A_233 = vector.shape_cast %get3A_232 : vector<1x16xf32> to vector<16xf32>
        %mul3A_234 = vector.broadcast %squeeze3A_218 : f32 to vector<16xf32>
        %mul3A_235 = arith.mulf %get3A_233, %mul3A_234 : vector<16xf32>
        %swap3A_236 = arith.index_cast %add3A_216 : i32 to index
        %swap3A_237 = arith.constant 16 : index
        %swap3A_238 = tpu.vector_load %arg10[%swap3A_236, %swap3A_237] {strides = array<i32>} : memref<80x32xf32, #tpu.memory_space<vmem>>, vector<1x16xf32>,
        %swap3A_239 = vector.shape_cast %swap3A_238 : vector<1x16xf32> to vector<16xf32>
        %swap3A_240 = vector.shape_cast %mul3A_235 : vector<16xf32> to vector<1x16xf32>
        tpu.vector_store %arg10[%swap3A_236, %swap3A_237], %swap3A_240 {strides = array<i32>} : memref<80x32xf32, #tpu.memory_space<vmem>>, vector<1x16xf32>,
        %mul3A_241 = arith.constant 16 : i32
        %mul3A_242 = arith.muli %add3A_42, %mul3A_241 : i32
        %add3A_243 = arith.constant 7 : i32
        %add3A_244 = arith.addi %mul3A_242, %add3A_243 : i32
        %slice3A_245 = vector.extract_strided_slice %get3A_47 {offsets = [7], sizes = [1], strides = [1]} : vector<16xf32> to vector<1xf32>
        %squeeze3A_246 = vector.extract %slice3A_245[0] : f32 from vector<1xf32>
        %get3A_247 = arith.index_cast %add3A_244 : i32 to index
        %get3A_248 = arith.constant 0 : index
        %get3A_249 = tpu.vector_load %arg10[%get3A_247, %get3A_248] {strides = array<i32>} : memref<80x32xf32, #tpu.memory_space<vmem>>, vector<1x16xf32>,
        %get3A_250 = vector.shape_cast %get3A_249 : vector<1x16xf32> to vector<16xf32>
        %mul3A_251 = vector.broadcast %squeeze3A_246 : f32 to vector<16xf32>
        %mul3A_252 = arith.mulf %get3A_250, %mul3A_251 : vector<16xf32>
        %swap3A_253 = arith.index_cast %add3A_244 : i32 to index
        %swap3A_254 = arith.constant 0 : index
        %swap3A_255 = tpu.vector_load %arg10[%swap3A_253, %swap3A_254] {strides = array<i32>} : memref<80x32xf32, #tpu.memory_space<vmem>>, vector<1x16xf32>,
        %swap3A_256 = vector.shape_cast %swap3A_255 : vector<1x16xf32> to vector<16xf32>
        %swap3A_257 = vector.shape_cast %mul3A_252 : vector<16xf32> to vector<1x16xf32>
        tpu.vector_store %arg10[%swap3A_253, %swap3A_254], %swap3A_257 {strides = array<i32>} : memref<80x32xf32, #tpu.memory_space<vmem>>, vector<1x16xf32>,
        %get3A_258 = arith.index_cast %add3A_244 : i32 to index
        %get3A_259 = arith.constant 16 : index
        %get3A_260 = tpu.vector_load %arg10[%get3A_258, %get3A_259] {strides = array<i32>} : memref<80x32xf32, #tpu.memory_space<vmem>>, vector<1x16xf32>,
        %get3A_261 = vector.shape_cast %get3A_260 : vector<1x16xf32> to vector<16xf32>
        %mul3A_262 = vector.broadcast %squeeze3A_246 : f32 to vector<16xf32>
        %mul3A_263 = arith.mulf %get3A_261, %mul3A_262 : vector<16xf32>
        %swap3A_264 = arith.index_cast %add3A_244 : i32 to index
        %swap3A_265 = arith.constant 16 : index
        %swap3A_266 = tpu.vector_load %arg10[%swap3A_264, %swap3A_265] {strides = array<i32>} : memref<80x32xf32, #tpu.memory_space<vmem>>, vector<1x16xf32>,
        %swap3A_267 = vector.shape_cast %swap3A_266 : vector<1x16xf32> to vector<16xf32>
        %swap3A_268 = vector.shape_cast %mul3A_263 : vector<16xf32> to vector<1x16xf32>
        tpu.vector_store %arg10[%swap3A_264, %swap3A_265], %swap3A_268 {strides = array<i32>} : memref<80x32xf32, #tpu.memory_space<vmem>>, vector<1x16xf32>,
        %mul3A_269 = arith.constant 16 : i32
        %mul3A_270 = arith.muli %add3A_42, %mul3A_269 : i32
        %add3A_271 = arith.constant 8 : i32
        %add3A_272 = arith.addi %mul3A_270, %add3A_271 : i32
        %slice3A_273 = vector.extract_strided_slice %get3A_47 {offsets = [8], sizes = [1], strides = [1]} : vector<16xf32> to vector<1xf32>
        %squeeze3A_274 = vector.extract %slice3A_273[0] : f32 from vector<1xf32>
        %get3A_275 = arith.index_cast %add3A_272 : i32 to index
        %get3A_276 = arith.constant 0 : index
        %get3A_277 = tpu.vector_load %arg10[%get3A_275, %get3A_276] {strides = array<i32>} : memref<80x32xf32, #tpu.memory_space<vmem>>, vector<1x16xf32>,
        %get3A_278 = vector.shape_cast %get3A_277 : vector<1x16xf32> to vector<16xf32>
        %mul3A_279 = vector.broadcast %squeeze3A_274 : f32 to vector<16xf32>
        %mul3A_280 = arith.mulf %get3A_278, %mul3A_279 : vector<16xf32>
        %swap3A_281 = arith.index_cast %add3A_272 : i32 to index
        %swap3A_282 = arith.constant 0 : index
        %swap3A_283 = tpu.vector_load %arg10[%swap3A_281, %swap3A_282] {strides = array<i32>} : memref<80x32xf32, #tpu.memory_space<vmem>>, vector<1x16xf32>,
        %swap3A_284 = vector.shape_cast %swap3A_283 : vector<1x16xf32> to vector<16xf32>
        %swap3A_285 = vector.shape_cast %mul3A_280 : vector<16xf32> to vector<1x16xf32>
        tpu.vector_store %arg10[%swap3A_281, %swap3A_282], %swap3A_285 {strides = array<i32>} : memref<80x32xf32, #tpu.memory_space<vmem>>, vector<1x16xf32>,
        %get3A_286 = arith.index_cast %add3A_272 : i32 to index
        %get3A_287 = arith.constant 16 : index
        %get3A_288 = tpu.vector_load %arg10[%get3A_286, %get3A_287] {strides = array<i32>} : memref<80x32xf32, #tpu.memory_space<vmem>>, vector<1x16xf32>,
        %get3A_289 = vector.shape_cast %get3A_288 : vector<1x16xf32> to vector<16xf32>
        %mul3A_290 = vector.broadcast %squeeze3A_274 : f32 to vector<16xf32>
        %mul3A_291 = arith.mulf %get3A_289, %mul3A_290 : vector<16xf32>
        %swap3A_292 = arith.index_cast %add3A_272 : i32 to index
        %swap3A_293 = arith.constant 16 : index
        %swap3A_294 = tpu.vector_load %arg10[%swap3A_292, %swap3A_293] {strides = array<i32>} : memref<80x32xf32, #tpu.memory_space<vmem>>, vector<1x16xf32>,
        %swap3A_295 = vector.shape_cast %swap3A_294 : vector<1x16xf32> to vector<16xf32>
        %swap3A_296 = vector.shape_cast %mul3A_291 : vector<16xf32> to vector<1x16xf32>
        tpu.vector_store %arg10[%swap3A_292, %swap3A_293], %swap3A_296 {strides = array<i32>} : memref<80x32xf32, #tpu.memory_space<vmem>>, vector<1x16xf32>,
        %mul3A_297 = arith.constant 16 : i32
        %mul3A_298 = arith.muli %add3A_42, %mul3A_297 : i32
        %add3A_299 = arith.constant 9 : i32
        %add3A_300 = arith.addi %mul3A_298, %add3A_299 : i32
        %slice3A_301 = vector.extract_strided_slice %get3A_47 {offsets = [9], sizes = [1], strides = [1]} : vector<16xf32> to vector<1xf32>
        %squeeze3A_302 = vector.extract %slice3A_301[0] : f32 from vector<1xf32>
        %get3A_303 = arith.index_cast %add3A_300 : i32 to index
        %get3A_304 = arith.constant 0 : index
        %get3A_305 = tpu.vector_load %arg10[%get3A_303, %get3A_304] {strides = array<i32>} : memref<80x32xf32, #tpu.memory_space<vmem>>, vector<1x16xf32>,
        %get3A_306 = vector.shape_cast %get3A_305 : vector<1x16xf32> to vector<16xf32>
        %mul3A_307 = vector.broadcast %squeeze3A_302 : f32 to vector<16xf32>
        %mul3A_308 = arith.mulf %get3A_306, %mul3A_307 : vector<16xf32>
        %swap3A_309 = arith.index_cast %add3A_300 : i32 to index
        %swap3A_310 = arith.constant 0 : index
        %swap3A_311 = tpu.vector_load %arg10[%swap3A_309, %swap3A_310] {strides = array<i32>} : memref<80x32xf32, #tpu.memory_space<vmem>>, vector<1x16xf32>,
        %swap3A_312 = vector.shape_cast %swap3A_311 : vector<1x16xf32> to vector<16xf32>
        %swap3A_313 = vector.shape_cast %mul3A_308 : vector<16xf32> to vector<1x16xf32>
        tpu.vector_store %arg10[%swap3A_309, %swap3A_310], %swap3A_313 {strides = array<i32>} : memref<80x32xf32, #tpu.memory_space<vmem>>, vector<1x16xf32>,
        %get3A_314 = arith.index_cast %add3A_300 : i32 to index
        %get3A_315 = arith.constant 16 : index
        %get3A_316 = tpu.vector_load %arg10[%get3A_314, %get3A_315] {strides = array<i32>} : memref<80x32xf32, #tpu.memory_space<vmem>>, vector<1x16xf32>,
        %get3A_317 = vector.shape_cast %get3A_316 : vector<1x16xf32> to vector<16xf32>
        %mul3A_318 = vector.broadcast %squeeze3A_302 : f32 to vector<16xf32>
        %mul3A_319 = arith.mulf %get3A_317, %mul3A_318 : vector<16xf32>
        %swap3A_320 = arith.index_cast %add3A_300 : i32 to index
        %swap3A_321 = arith.constant 16 : index
        %swap3A_322 = tpu.vector_load %arg10[%swap3A_320, %swap3A_321] {strides = array<i32>} : memref<80x32xf32, #tpu.memory_space<vmem>>, vector<1x16xf32>,
        %swap3A_323 = vector.shape_cast %swap3A_322 : vector<1x16xf32> to vector<16xf32>
        %swap3A_324 = vector.shape_cast %mul3A_319 : vector<16xf32> to vector<1x16xf32>
        tpu.vector_store %arg10[%swap3A_320, %swap3A_321], %swap3A_324 {strides = array<i32>} : memref<80x32xf32, #tpu.memory_space<vmem>>, vector<1x16xf32>,
        %mul3A_325 = arith.constant 16 : i32
        %mul3A_326 = arith.muli %add3A_42, %mul3A_325 : i32
        %add3A_327 = arith.constant 10 : i32
        %add3A_328 = arith.addi %mul3A_326, %add3A_327 : i32
        %slice3A_329 = vector.extract_strided_slice %get3A_47 {offsets = [10], sizes = [1], strides = [1]} : vector<16xf32> to vector<1xf32>
        %squeeze3A_330 = vector.extract %slice3A_329[0] : f32 from vector<1xf32>
        %get3A_331 = arith.index_cast %add3A_328 : i32 to index
        %get3A_332 = arith.constant 0 : index
        %get3A_333 = tpu.vector_load %arg10[%get3A_331, %get3A_332] {strides = array<i32>} : memref<80x32xf32, #tpu.memory_space<vmem>>, vector<1x16xf32>,
        %get3A_334 = vector.shape_cast %get3A_333 : vector<1x16xf32> to vector<16xf32>
        %mul3A_335 = vector.broadcast %squeeze3A_330 : f32 to vector<16xf32>
        %mul3A_336 = arith.mulf %get3A_334, %mul3A_335 : vector<16xf32>
        %swap3A_337 = arith.index_cast %add3A_328 : i32 to index
        %swap3A_338 = arith.constant 0 : index
        %swap3A_339 = tpu.vector_load %arg10[%swap3A_337, %swap3A_338] {strides = array<i32>} : memref<80x32xf32, #tpu.memory_space<vmem>>, vector<1x16xf32>,
        %swap3A_340 = vector.shape_cast %swap3A_339 : vector<1x16xf32> to vector<16xf32>
        %swap3A_341 = vector.shape_cast %mul3A_336 : vector<16xf32> to vector<1x16xf32>
        tpu.vector_store %arg10[%swap3A_337, %swap3A_338], %swap3A_341 {strides = array<i32>} : memref<80x32xf32, #tpu.memory_space<vmem>>, vector<1x16xf32>,
        %get3A_342 = arith.index_cast %add3A_328 : i32 to index
        %get3A_343 = arith.constant 16 : index
        %get3A_344 = tpu.vector_load %arg10[%get3A_342, %get3A_343] {strides = array<i32>} : memref<80x32xf32, #tpu.memory_space<vmem>>, vector<1x16xf32>,
        %get3A_345 = vector.shape_cast %get3A_344 : vector<1x16xf32> to vector<16xf32>
        %mul3A_346 = vector.broadcast %squeeze3A_330 : f32 to vector<16xf32>
        %mul3A_347 = arith.mulf %get3A_345, %mul3A_346 : vector<16xf32>
        %swap3A_348 = arith.index_cast %add3A_328 : i32 to index
        %swap3A_349 = arith.constant 16 : index
        %swap3A_350 = tpu.vector_load %arg10[%swap3A_348, %swap3A_349] {strides = array<i32>} : memref<80x32xf32, #tpu.memory_space<vmem>>, vector<1x16xf32>,
        %swap3A_351 = vector.shape_cast %swap3A_350 : vector<1x16xf32> to vector<16xf32>
        %swap3A_352 = vector.shape_cast %mul3A_347 : vector<16xf32> to vector<1x16xf32>
        tpu.vector_store %arg10[%swap3A_348, %swap3A_349], %swap3A_352 {strides = array<i32>} : memref<80x32xf32, #tpu.memory_space<vmem>>, vector<1x16xf32>,
        %mul3A_353 = arith.constant 16 : i32
        %mul3A_354 = arith.muli %add3A_42, %mul3A_353 : i32
        %add3A_355 = arith.constant 11 : i32
        %add3A_356 = arith.addi %mul3A_354, %add3A_355 : i32
        %slice3A_357 = vector.extract_strided_slice %get3A_47 {offsets = [11], sizes = [1], strides = [1]} : vector<16xf32> to vector<1xf32>
        %squeeze3A_358 = vector.extract %slice3A_357[0] : f32 from vector<1xf32>
        %get3A_359 = arith.index_cast %add3A_356 : i32 to index
        %get3A_360 = arith.constant 0 : index
        %get3A_361 = tpu.vector_load %arg10[%get3A_359, %get3A_360] {strides = array<i32>} : memref<80x32xf32, #tpu.memory_space<vmem>>, vector<1x16xf32>,
        %get3A_362 = vector.shape_cast %get3A_361 : vector<1x16xf32> to vector<16xf32>
        %mul3A_363 = vector.broadcast %squeeze3A_358 : f32 to vector<16xf32>
        %mul3A_364 = arith.mulf %get3A_362, %mul3A_363 : vector<16xf32>
        %swap3A_365 = arith.index_cast %add3A_356 : i32 to index
        %swap3A_366 = arith.constant 0 : index
        %swap3A_367 = tpu.vector_load %arg10[%swap3A_365, %swap3A_366] {strides = array<i32>} : memref<80x32xf32, #tpu.memory_space<vmem>>, vector<1x16xf32>,
        %swap3A_368 = vector.shape_cast %swap3A_367 : vector<1x16xf32> to vector<16xf32>
        %swap3A_369 = vector.shape_cast %mul3A_364 : vector<16xf32> to vector<1x16xf32>
        tpu.vector_store %arg10[%swap3A_365, %swap3A_366], %swap3A_369 {strides = array<i32>} : memref<80x32xf32, #tpu.memory_space<vmem>>, vector<1x16xf32>,
        %get3A_370 = arith.index_cast %add3A_356 : i32 to index
        %get3A_371 = arith.constant 16 : index
        %get3A_372 = tpu.vector_load %arg10[%get3A_370, %get3A_371] {strides = array<i32>} : memref<80x32xf32, #tpu.memory_space<vmem>>, vector<1x16xf32>,
        %get3A_373 = vector.shape_cast %get3A_372 : vector<1x16xf32> to vector<16xf32>
        %mul3A_374 = vector.broadcast %squeeze3A_358 : f32 to vector<16xf32>
        %mul3A_375 = arith.mulf %get3A_373, %mul3A_374 : vector<16xf32>
        %swap3A_376 = arith.index_cast %add3A_356 : i32 to index
        %swap3A_377 = arith.constant 16 : index
        %swap3A_378 = tpu.vector_load %arg10[%swap3A_376, %swap3A_377] {strides = array<i32>} : memref<80x32xf32, #tpu.memory_space<vmem>>, vector<1x16xf32>,
        %swap3A_379 = vector.shape_cast %swap3A_378 : vector<1x16xf32> to vector<16xf32>
        %swap3A_380 = vector.shape_cast %mul3A_375 : vector<16xf32> to vector<1x16xf32>
        tpu.vector_store %arg10[%swap3A_376, %swap3A_377], %swap3A_380 {strides = array<i32>} : memref<80x32xf32, #tpu.memory_space<vmem>>, vector<1x16xf32>,
        %mul3A_381 = arith.constant 16 : i32
        %mul3A_382 = arith.muli %add3A_42, %mul3A_381 : i32
        %add3A_383 = arith.constant 12 : i32
        %add3A_384 = arith.addi %mul3A_382, %add3A_383 : i32
        %slice3A_385 = vector.extract_strided_slice %get3A_47 {offsets = [12], sizes = [1], strides = [1]} : vector<16xf32> to vector<1xf32>
        %squeeze3A_386 = vector.extract %slice3A_385[0] : f32 from vector<1xf32>
        %get3A_387 = arith.index_cast %add3A_384 : i32 to index
        %get3A_388 = arith.constant 0 : index
        %get3A_389 = tpu.vector_load %arg10[%get3A_387, %get3A_388] {strides = array<i32>} : memref<80x32xf32, #tpu.memory_space<vmem>>, vector<1x16xf32>,
        %get3A_390 = vector.shape_cast %get3A_389 : vector<1x16xf32> to vector<16xf32>
        %mul3A_391 = vector.broadcast %squeeze3A_386 : f32 to vector<16xf32>
        %mul3A_392 = arith.mulf %get3A_390, %mul3A_391 : vector<16xf32>
        %swap3A_393 = arith.index_cast %add3A_384 : i32 to index
        %swap3A_394 = arith.constant 0 : index
        %swap3A_395 = tpu.vector_load %arg10[%swap3A_393, %swap3A_394] {strides = array<i32>} : memref<80x32xf32, #tpu.memory_space<vmem>>, vector<1x16xf32>,
        %swap3A_396 = vector.shape_cast %swap3A_395 : vector<1x16xf32> to vector<16xf32>
        %swap3A_397 = vector.shape_cast %mul3A_392 : vector<16xf32> to vector<1x16xf32>
        tpu.vector_store %arg10[%swap3A_393, %swap3A_394], %swap3A_397 {strides = array<i32>} : memref<80x32xf32, #tpu.memory_space<vmem>>, vector<1x16xf32>,
        %get3A_398 = arith.index_cast %add3A_384 : i32 to index
        %get3A_399 = arith.constant 16 : index
        %get3A_400 = tpu.vector_load %arg10[%get3A_398, %get3A_399] {strides = array<i32>} : memref<80x32xf32, #tpu.memory_space<vmem>>, vector<1x16xf32>,
        %get3A_401 = vector.shape_cast %get3A_400 : vector<1x16xf32> to vector<16xf32>
        %mul3A_402 = vector.broadcast %squeeze3A_386 : f32 to vector<16xf32>
        %mul3A_403 = arith.mulf %get3A_401, %mul3A_402 : vector<16xf32>
        %swap3A_404 = arith.index_cast %add3A_384 : i32 to index
        %swap3A_405 = arith.constant 16 : index
        %swap3A_406 = tpu.vector_load %arg10[%swap3A_404, %swap3A_405] {strides = array<i32>} : memref<80x32xf32, #tpu.memory_space<vmem>>, vector<1x16xf32>,
        %swap3A_407 = vector.shape_cast %swap3A_406 : vector<1x16xf32> to vector<16xf32>
        %swap3A_408 = vector.shape_cast %mul3A_403 : vector<16xf32> to vector<1x16xf32>
        tpu.vector_store %arg10[%swap3A_404, %swap3A_405], %swap3A_408 {strides = array<i32>} : memref<80x32xf32, #tpu.memory_space<vmem>>, vector<1x16xf32>,
        %mul3A_409 = arith.constant 16 : i32
        %mul3A_410 = arith.muli %add3A_42, %mul3A_409 : i32
        %add3A_411 = arith.constant 13 : i32
        %add3A_412 = arith.addi %mul3A_410, %add3A_411 : i32
        %slice3A_413 = vector.extract_strided_slice %get3A_47 {offsets = [13], sizes = [1], strides = [1]} : vector<16xf32> to vector<1xf32>
        %squeeze3A_414 = vector.extract %slice3A_413[0] : f32 from vector<1xf32>
        %get3A_415 = arith.index_cast %add3A_412 : i32 to index
        %get3A_416 = arith.constant 0 : index
        %get3A_417 = tpu.vector_load %arg10[%get3A_415, %get3A_416] {strides = array<i32>} : memref<80x32xf32, #tpu.memory_space<vmem>>, vector<1x16xf32>,
        %get3A_418 = vector.shape_cast %get3A_417 : vector<1x16xf32> to vector<16xf32>
        %mul3A_419 = vector.broadcast %squeeze3A_414 : f32 to vector<16xf32>
        %mul3A_420 = arith.mulf %get3A_418, %mul3A_419 : vector<16xf32>
        %swap3A_421 = arith.index_cast %add3A_412 : i32 to index
        %swap3A_422 = arith.constant 0 : index
        %swap3A_423 = tpu.vector_load %arg10[%swap3A_421, %swap3A_422] {strides = array<i32>} : memref<80x32xf32, #tpu.memory_space<vmem>>, vector<1x16xf32>,
        %swap3A_424 = vector.shape_cast %swap3A_423 : vector<1x16xf32> to vector<16xf32>
        %swap3A_425 = vector.shape_cast %mul3A_420 : vector<16xf32> to vector<1x16xf32>
        tpu.vector_store %arg10[%swap3A_421, %swap3A_422], %swap3A_425 {strides = array<i32>} : memref<80x32xf32, #tpu.memory_space<vmem>>, vector<1x16xf32>,
        %get3A_426 = arith.index_cast %add3A_412 : i32 to index
        %get3A_427 = arith.constant 16 : index
        %get3A_428 = tpu.vector_load %arg10[%get3A_426, %get3A_427] {strides = array<i32>} : memref<80x32xf32, #tpu.memory_space<vmem>>, vector<1x16xf32>,
        %get3A_429 = vector.shape_cast %get3A_428 : vector<1x16xf32> to vector<16xf32>
        %mul3A_430 = vector.broadcast %squeeze3A_414 : f32 to vector<16xf32>
        %mul3A_431 = arith.mulf %get3A_429, %mul3A_430 : vector<16xf32>
        %swap3A_432 = arith.index_cast %add3A_412 : i32 to index
        %swap3A_433 = arith.constant 16 : index
        %swap3A_434 = tpu.vector_load %arg10[%swap3A_432, %swap3A_433] {strides = array<i32>} : memref<80x32xf32, #tpu.memory_space<vmem>>, vector<1x16xf32>,
        %swap3A_435 = vector.shape_cast %swap3A_434 : vector<1x16xf32> to vector<16xf32>
        %swap3A_436 = vector.shape_cast %mul3A_431 : vector<16xf32> to vector<1x16xf32>
        tpu.vector_store %arg10[%swap3A_432, %swap3A_433], %swap3A_436 {strides = array<i32>} : memref<80x32xf32, #tpu.memory_space<vmem>>, vector<1x16xf32>,
        %mul3A_437 = arith.constant 16 : i32
        %mul3A_438 = arith.muli %add3A_42, %mul3A_437 : i32
        %add3A_439 = arith.constant 14 : i32
        %add3A_440 = arith.addi %mul3A_438, %add3A_439 : i32
        %slice3A_441 = vector.extract_strided_slice %get3A_47 {offsets = [14], sizes = [1], strides = [1]} : vector<16xf32> to vector<1xf32>
        %squeeze3A_442 = vector.extract %slice3A_441[0] : f32 from vector<1xf32>
        %get3A_443 = arith.index_cast %add3A_440 : i32 to index
        %get3A_444 = arith.constant 0 : index
        %get3A_445 = tpu.vector_load %arg10[%get3A_443, %get3A_444] {strides = array<i32>} : memref<80x32xf32, #tpu.memory_space<vmem>>, vector<1x16xf32>,
        %get3A_446 = vector.shape_cast %get3A_445 : vector<1x16xf32> to vector<16xf32>
        %mul3A_447 = vector.broadcast %squeeze3A_442 : f32 to vector<16xf32>
        %mul3A_448 = arith.mulf %get3A_446, %mul3A_447 : vector<16xf32>
        %swap3A_449 = arith.index_cast %add3A_440 : i32 to index
        %swap3A_450 = arith.constant 0 : index
        %swap3A_451 = tpu.vector_load %arg10[%swap3A_449, %swap3A_450] {strides = array<i32>} : memref<80x32xf32, #tpu.memory_space<vmem>>, vector<1x16xf32>,
        %swap3A_452 = vector.shape_cast %swap3A_451 : vector<1x16xf32> to vector<16xf32>
        %swap3A_453 = vector.shape_cast %mul3A_448 : vector<16xf32> to vector<1x16xf32>
        tpu.vector_store %arg10[%swap3A_449, %swap3A_450], %swap3A_453 {strides = array<i32>} : memref<80x32xf32, #tpu.memory_space<vmem>>, vector<1x16xf32>,
        %get3A_454 = arith.index_cast %add3A_440 : i32 to index
        %get3A_455 = arith.constant 16 : index
        %get3A_456 = tpu.vector_load %arg10[%get3A_454, %get3A_455] {strides = array<i32>} : memref<80x32xf32, #tpu.memory_space<vmem>>, vector<1x16xf32>,
        %get3A_457 = vector.shape_cast %get3A_456 : vector<1x16xf32> to vector<16xf32>
        %mul3A_458 = vector.broadcast %squeeze3A_442 : f32 to vector<16xf32>
        %mul3A_459 = arith.mulf %get3A_457, %mul3A_458 : vector<16xf32>
        %swap3A_460 = arith.index_cast %add3A_440 : i32 to index
        %swap3A_461 = arith.constant 16 : index
        %swap3A_462 = tpu.vector_load %arg10[%swap3A_460, %swap3A_461] {strides = array<i32>} : memref<80x32xf32, #tpu.memory_space<vmem>>, vector<1x16xf32>,
        %swap3A_463 = vector.shape_cast %swap3A_462 : vector<1x16xf32> to vector<16xf32>
        %swap3A_464 = vector.shape_cast %mul3A_459 : vector<16xf32> to vector<1x16xf32>
        tpu.vector_store %arg10[%swap3A_460, %swap3A_461], %swap3A_464 {strides = array<i32>} : memref<80x32xf32, #tpu.memory_space<vmem>>, vector<1x16xf32>,
        %mul3A_465 = arith.constant 16 : i32
        %mul3A_466 = arith.muli %add3A_42, %mul3A_465 : i32
        %add3A_467 = arith.constant 15 : i32
        %add3A_468 = arith.addi %mul3A_466, %add3A_467 : i32
        %slice3A_469 = vector.extract_strided_slice %get3A_47 {offsets = [15], sizes = [1], strides = [1]} : vector<16xf32> to vector<1xf32>
        %squeeze3A_470 = vector.extract %slice3A_469[0] : f32 from vector<1xf32>
        %get3A_471 = arith.index_cast %add3A_468 : i32 to index
        %get3A_472 = arith.constant 0 : index
        %get3A_473 = tpu.vector_load %arg10[%get3A_471, %get3A_472] {strides = array<i32>} : memref<80x32xf32, #tpu.memory_space<vmem>>, vector<1x16xf32>,
        %get3A_474 = vector.shape_cast %get3A_473 : vector<1x16xf32> to vector<16xf32>
        %mul3A_475 = vector.broadcast %squeeze3A_470 : f32 to vector<16xf32>
        %mul3A_476 = arith.mulf %get3A_474, %mul3A_475 : vector<16xf32>
        %swap3A_477 = arith.index_cast %add3A_468 : i32 to index
        %swap3A_478 = arith.constant 0 : index
        %swap3A_479 = tpu.vector_load %arg10[%swap3A_477, %swap3A_478] {strides = array<i32>} : memref<80x32xf32, #tpu.memory_space<vmem>>, vector<1x16xf32>,
        %swap3A_480 = vector.shape_cast %swap3A_479 : vector<1x16xf32> to vector<16xf32>
        %swap3A_481 = vector.shape_cast %mul3A_476 : vector<16xf32> to vector<1x16xf32>
        tpu.vector_store %arg10[%swap3A_477, %swap3A_478], %swap3A_481 {strides = array<i32>} : memref<80x32xf32, #tpu.memory_space<vmem>>, vector<1x16xf32>,
        %get3A_482 = arith.index_cast %add3A_468 : i32 to index
        %get3A_483 = arith.constant 16 : index
        %get3A_484 = tpu.vector_load %arg10[%get3A_482, %get3A_483] {strides = array<i32>} : memref<80x32xf32, #tpu.memory_space<vmem>>, vector<1x16xf32>,
        %get3A_485 = vector.shape_cast %get3A_484 : vector<1x16xf32> to vector<16xf32>
        %mul3A_486 = vector.broadcast %squeeze3A_470 : f32 to vector<16xf32>
        %mul3A_487 = arith.mulf %get3A_485, %mul3A_486 : vector<16xf32>
        %swap3A_488 = arith.index_cast %add3A_468 : i32 to index
        %swap3A_489 = arith.constant 16 : index
        %swap3A_490 = tpu.vector_load %arg10[%swap3A_488, %swap3A_489] {strides = array<i32>} : memref<80x32xf32, #tpu.memory_space<vmem>>, vector<1x16xf32>,
        %swap3A_491 = vector.shape_cast %swap3A_490 : vector<1x16xf32> to vector<16xf32>
        %swap3A_492 = vector.shape_cast %mul3A_487 : vector<16xf32> to vector<1x16xf32>
        tpu.vector_store %arg10[%swap3A_488, %swap3A_489], %swap3A_492 {strides = array<i32>} : memref<80x32xf32, #tpu.memory_space<vmem>>, vector<1x16xf32>,
      }
      %scan3A_37 = arith.constant 5 : i32
      "tpu.region"() ({
        %run_scoped3A = tpu.sem_alloc : memref<!tpu.dma_semaphore, #tpu.memory_space<semaphore_mem>>
        %dma_start3A_38 = arith.constant 0 : i32
        %dma_start3A_39 = tpu.memref_slice %arg8[%add3A_22, %dma_start3A_38] : memref<125x80xi32, #tpu.memory_space<vmem>> -> memref<1x80xi32, #tpu.memory_space<vmem>>
        %dma_start3A_40 = tpu.memref_squeeze %dma_start3A_39 : memref<1x80xi32, #tpu.memory_space<vmem>> -> memref<80xi32, #tpu.memory_space<vmem>>
        %dma_start3A_41 = arith.constant 0 : i32
        %dma_start3A_42 = arith.constant 0 : i32
        %dma_start3A_43 = tpu.memref_slice %arg12[%dma_start3A_41, %dma_start3A_42] : memref<10240x32xf32, #tpu.memory_space<vmem_shared>> -> memref<10240x32xf32, #tpu.memory_space<vmem_shared>>
        tpu.enqueue_indirect_dma source(%arg10 : memref<80x32xf32, #tpu.memory_space<vmem>>) target(%dma_start3A_43 : memref<10240x32xf32, #tpu.memory_space<vmem_shared>>) offsets(%dma_start3A_40 : memref<80xi32, #tpu.memory_space<vmem>>) semaphore(%run_scoped3A : memref<!tpu.dma_semaphore, #tpu.memory_space<semaphore_mem>>) {add = true}
        %dma_wait3A_44 = arith.constant 0 : i32
        %dma_wait3A_45 = tpu.memref_slice %arg8[%add3A_22, %dma_wait3A_44] : memref<125x80xi32, #tpu.memory_space<vmem>> -> memref<1x80xi32, #tpu.memory_space<vmem>>
        %dma_wait3A_46 = tpu.memref_squeeze %dma_wait3A_45 : memref<1x80xi32, #tpu.memory_space<vmem>> -> memref<80xi32, #tpu.memory_space<vmem>>
        %dma_wait3A_47 = arith.constant 0 : i32
        %dma_wait3A_48 = arith.constant 0 : i32
        %dma_wait3A_49 = tpu.memref_slice %arg12[%dma_wait3A_47, %dma_wait3A_48] : memref<10240x32xf32, #tpu.memory_space<vmem_shared>> -> memref<10240x32xf32, #tpu.memory_space<vmem_shared>>
        tpu.wait_indirect_dma semaphore(%run_scoped3A : memref<!tpu.dma_semaphore, #tpu.memory_space<semaphore_mem>>) src(%arg10 : memref<80x32xf32, #tpu.memory_space<vmem>>) dst(%dma_wait3A_49 : memref<10240x32xf32, #tpu.memory_space<vmem_shared>>)
        tpu.yield
      }) : () -> ()
    }
    %scan3A_12 = arith.constant 125 : i32
    %barrier3A_13 = arith.constant 0 : index
    tpu.barrier barrier_id(%barrier3A_13)
    %mul3A_14 = arith.constant 640 : i32
    %mul3A_15 = arith.muli %arg1, %mul3A_14 : i32
    "tpu.region"() ({
      %run_scoped3A = tpu.sem_alloc : memref<!tpu.dma_semaphore, #tpu.memory_space<semaphore_mem>>
      %dma_start3A = arith.constant 0 : i32
      %dma_start3A_18 = tpu.memref_slice %arg12[%mul3A_15, %dma_start3A] : memref<10240x32xf32, #tpu.memory_space<vmem_shared>> -> memref<640x32xf32, #tpu.memory_space<vmem_shared>>
      %dma_start3A_19 = arith.constant 0 : i32
      %dma_start3A_20 = tpu.memref_slice %arg12[%mul3A_15, %dma_start3A_19] : memref<10240x32xf32, #tpu.memory_space<vmem_shared>> -> memref<640x32xf32, #tpu.memory_space<vmem_shared>>
      tpu.enqueue_dma source(%dma_start3A_20 : memref<640x32xf32, #tpu.memory_space<vmem_shared>>) target(%arg11 : memref<640x32xf32, #tpu.memory_space<vmem>>) target_semaphore(%run_scoped3A : memref<!tpu.dma_semaphore, #tpu.memory_space<semaphore_mem>>)
      %dma_wait3A = arith.constant 0 : i32
      %dma_wait3A_21 = tpu.memref_slice %arg12[%mul3A_15, %dma_wait3A] : memref<10240x32xf32, #tpu.memory_space<vmem_shared>> -> memref<640x32xf32, #tpu.memory_space<vmem_shared>>
      %dma_wait3A_22 = arith.constant 0 : i32
      %dma_wait3A_23 = tpu.memref_slice %arg12[%mul3A_15, %dma_wait3A_22] : memref<10240x32xf32, #tpu.memory_space<vmem_shared>> -> memref<640x32xf32, #tpu.memory_space<vmem_shared>>
      tpu.wait_dma2 semaphore(%run_scoped3A : memref<!tpu.dma_semaphore, #tpu.memory_space<semaphore_mem>>) src(%dma_wait3A_23 : memref<640x32xf32, #tpu.memory_space<vmem_shared>>) dst(%arg11 : memref<640x32xf32, #tpu.memory_space<vmem>>)
      tpu.yield
    }) : () -> ()
    %mul3A_16 = arith.constant 640 : i32
    %mul3A_17 = arith.muli %arg1, %mul3A_16 : i32
    "tpu.region"() ({
      %run_scoped3A = tpu.sem_alloc : memref<!tpu.dma_semaphore, #tpu.memory_space<semaphore_mem>>
      %dma_start3A = arith.constant 0 : i32
      %dma_start3A_18 = tpu.memref_slice %arg6[%arg0, %mul3A_17, %dma_start3A] : memref<2x10240x32xf32, #tpu.memory_space<hbm>> -> memref<1x640x32xf32, #tpu.memory_space<hbm>>
      %dma_start3A_19 = tpu.memref_squeeze %dma_start3A_18 : memref<1x640x32xf32, #tpu.memory_space<hbm>> -> memref<640x32xf32, #tpu.memory_space<hbm>>
      %dma_start3A_20 = arith.constant 0 : i32
      %dma_start3A_21 = tpu.memref_slice %arg6[%arg0, %mul3A_17, %dma_start3A_20] : memref<2x10240x32xf32, #tpu.memory_space<hbm>> -> memref<1x640x32xf32, #tpu.memory_space<hbm>>
      %dma_start3A_22 = tpu.memref_squeeze %dma_start3A_21 : memref<1x640x32xf32, #tpu.memory_space<hbm>> -> memref<640x32xf32, #tpu.memory_space<hbm>>
      tpu.enqueue_dma source(%arg11 : memref<640x32xf32, #tpu.memory_space<vmem>>) target(%dma_start3A_22 : memref<640x32xf32, #tpu.memory_space<hbm>>) target_semaphore(%run_scoped3A : memref<!tpu.dma_semaphore, #tpu.memory_space<semaphore_mem>>)
      %dma_wait3A = arith.constant 0 : i32
      %dma_wait3A_23 = tpu.memref_slice %arg6[%arg0, %mul3A_17, %dma_wait3A] : memref<2x10240x32xf32, #tpu.memory_space<hbm>> -> memref<1x640x32xf32, #tpu.memory_space<hbm>>
      %dma_wait3A_24 = tpu.memref_squeeze %dma_wait3A_23 : memref<1x640x32xf32, #tpu.memory_space<hbm>> -> memref<640x32xf32, #tpu.memory_space<hbm>>
      %dma_wait3A_25 = arith.constant 0 : i32
      %dma_wait3A_26 = tpu.memref_slice %arg6[%arg0, %mul3A_17, %dma_wait3A_25] : memref<2x10240x32xf32, #tpu.memory_space<hbm>> -> memref<1x640x32xf32, #tpu.memory_space<hbm>>
      %dma_wait3A_27 = tpu.memref_squeeze %dma_wait3A_26 : memref<1x640x32xf32, #tpu.memory_space<hbm>> -> memref<640x32xf32, #tpu.memory_space<hbm>>
      tpu.wait_dma2 semaphore(%run_scoped3A : memref<!tpu.dma_semaphore, #tpu.memory_space<semaphore_mem>>) src(%arg11 : memref<640x32xf32, #tpu.memory_space<vmem>>) dst(%dma_wait3A_27 : memref<640x32xf32, #tpu.memory_space<hbm>>)
      tpu.yield
    }) : () -> ()
    return
  }
}

module attributes {stable_mosaic.version = 14 : i64} {
  func.func @_scale_body(%arg0: i32, %arg1: memref<2000x1xf32, #tpu.memory_space<vmem>>, %arg2: memref<2000x1xf32, #tpu.memory_space<vmem>>, %arg3: memref<2000x32xf32, #tpu.memory_space<vmem>>, %arg4: memref<2000x1xf32, #tpu.memory_space<vmem>>, %arg5: memref<2000x32xf32, #tpu.memory_space<vmem>>) attributes {dimension_semantics = [#tpu.dimension_semantics<arbitrary>], iteration_bounds = array<i64: 5>, scalar_prefetch = 0 : i64, scratch_operands = 0 : i64, tpu.core_type = #tpu.core_type<tc>, window_params = [{transform_indices = @transform_0, window_bounds = array<i64: 2000, 1>}, {transform_indices = @transform_1, window_bounds = array<i64: 2000, 1>}, {transform_indices = @transform_2, window_bounds = array<i64: 2000, 32>}, {transform_indices = @transform_3, window_bounds = array<i64: 2000, 1>}, {transform_indices = @transform_4, window_bounds = array<i64: 2000, 32>}]} {
    %get3A = arith.constant 0 : index
    %get3A_0 = arith.constant 0 : index
    %get3A_1 = vector.load %arg1[%get3A, %get3A_0] : memref<2000x1xf32, #tpu.memory_space<vmem>>, vector<2000x1xf32>
    %get3A_2 = arith.constant 0 : index
    %get3A_3 = arith.constant 0 : index
    %get3A_4 = vector.load %arg2[%get3A_2, %get3A_3] : memref<2000x1xf32, #tpu.memory_space<vmem>>, vector<2000x1xf32>
    %add3A = arith.addf %get3A_1, %get3A_4 : vector<2000x1xf32>
    %add3A_5 = arith.constant 1.000000e+00 : f32
    %add3A_6 = vector.broadcast %add3A_5 : f32 to vector<2000x1xf32>
    %add3A_7 = arith.addf %add3A, %add3A_6 : vector<2000x1xf32>
    %rsqrt3A = math.rsqrt %add3A_7 : vector<2000x1xf32>
    %swap3A = arith.constant 0 : index
    %swap3A_8 = arith.constant 0 : index
    %swap3A_9 = vector.load %arg4[%swap3A, %swap3A_8] : memref<2000x1xf32, #tpu.memory_space<vmem>>, vector<2000x1xf32>
    tpu.vector_store %arg4[%swap3A, %swap3A_8], %rsqrt3A {strides = array<i32>} : memref<2000x1xf32, #tpu.memory_space<vmem>>, vector<2000x1xf32>,
    %get3A_10 = arith.constant 0 : index
    %get3A_11 = arith.constant 0 : index
    %get3A_12 = vector.load %arg3[%get3A_10, %get3A_11] : memref<2000x32xf32, #tpu.memory_space<vmem>>, vector<2000x32xf32>
    %mul3A = vector.broadcast %rsqrt3A : vector<2000x1xf32> to vector<2000x32xf32>
    %mul3A_13 = arith.mulf %get3A_12, %mul3A : vector<2000x32xf32>
    %swap3A_14 = arith.constant 0 : index
    %swap3A_15 = arith.constant 0 : index
    %swap3A_16 = vector.load %arg5[%swap3A_14, %swap3A_15] : memref<2000x32xf32, #tpu.memory_space<vmem>>, vector<2000x32xf32>
    tpu.vector_store %arg5[%swap3A_14, %swap3A_15], %mul3A_13 {strides = array<i32>} : memref<2000x32xf32, #tpu.memory_space<vmem>>, vector<2000x32xf32>,
    return
  }
  func.func @transform_0(%arg0: i32) -> (i32, i32) {
    %c0_i32 = arith.constant 0 : i32
    %c0_i32_0 = arith.constant 0 : i32
    return %arg0, %c0_i32 : i32, i32
  }
  func.func @transform_1(%arg0: i32) -> (i32, i32) {
    %c0_i32 = arith.constant 0 : i32
    %c0_i32_0 = arith.constant 0 : i32
    return %arg0, %c0_i32 : i32, i32
  }
  func.func @transform_2(%arg0: i32) -> (i32, i32) {
    %c0_i32 = arith.constant 0 : i32
    %c0_i32_0 = arith.constant 0 : i32
    return %arg0, %c0_i32 : i32, i32
  }
  func.func @transform_3(%arg0: i32) -> (i32, i32) {
    %c0_i32 = arith.constant 0 : i32
    %c0_i32_0 = arith.constant 0 : i32
    return %arg0, %c0_i32 : i32, i32
  }
  func.func @transform_4(%arg0: i32) -> (i32, i32) {
    %c0_i32 = arith.constant 0 : i32
    %c0_i32_0 = arith.constant 0 : i32
    return %arg0, %c0_i32 : i32, i32
  }
}

module attributes {stable_mosaic.version = 14 : i64} {
  func.func @_epi_body(%arg0: i32, %arg1: memref<2000x32xf32, #tpu.memory_space<vmem>>, %arg2: memref<2000x32xf32, #tpu.memory_space<vmem>>, %arg3: memref<2000x32xf32, #tpu.memory_space<vmem>>, %arg4: memref<2000x1xf32, #tpu.memory_space<vmem>>, %arg5: memref<1x16xf32, #tpu.memory_space<vmem>>, %arg6: memref<2x128xf32, #tpu.memory_space<vmem>>, %arg7: memref<1x128xf32, #tpu.memory_space<vmem>>, %arg8: memref<256x128xf32, #tpu.memory_space<vmem>>, %arg9: memref<1x128xf32, #tpu.memory_space<vmem>>, %arg10: memref<2x128xf32, #tpu.memory_space<vmem>>, %arg11: memref<1x128xf32, #tpu.memory_space<vmem>>, %arg12: memref<256x128xf32, #tpu.memory_space<vmem>>, %arg13: memref<1x128xf32, #tpu.memory_space<vmem>>, %arg14: memref<2000x128xf32, #tpu.memory_space<vmem>>) attributes {dimension_semantics = [#tpu.dimension_semantics<arbitrary>], iteration_bounds = array<i64: 5>, scalar_prefetch = 0 : i64, scratch_operands = 0 : i64, tpu.core_type = #tpu.core_type<tc>, window_params = [{transform_indices = @transform_0, window_bounds = array<i64: 2000, 32>}, {transform_indices = @transform_1, window_bounds = array<i64: 2000, 32>}, {transform_indices = @transform_2, window_bounds = array<i64: 2000, 32>}, {transform_indices = @transform_3, window_bounds = array<i64: 2000, 1>}, {pipeline_mode = #tpu.pipeline_mode<synchronous>, transform_indices = @transform_4, window_bounds = array<i64: 1, 16>}, {pipeline_mode = #tpu.pipeline_mode<synchronous>, transform_indices = @transform_5, window_bounds = array<i64: 2, 128>}, {pipeline_mode = #tpu.pipeline_mode<synchronous>, transform_indices = @transform_6, window_bounds = array<i64: 1, 128>}, {pipeline_mode = #tpu.pipeline_mode<synchronous>, transform_indices = @transform_7, window_bounds = array<i64: 256, 128>}, {pipeline_mode = #tpu.pipeline_mode<synchronous>, transform_indices = @transform_8, window_bounds = array<i64: 1, 128>}, {pipeline_mode = #tpu.pipeline_mode<synchronous>, transform_indices = @transform_9, window_bounds = array<i64: 2, 128>}, {pipeline_mode = #tpu.pipeline_mode<synchronous>, transform_indices = @transform_10, window_bounds = array<i64: 1, 128>}, {pipeline_mode = #tpu.pipeline_mode<synchronous>, transform_indices = @transform_11, window_bounds = array<i64: 256, 128>}, {pipeline_mode = #tpu.pipeline_mode<synchronous>, transform_indices = @transform_12, window_bounds = array<i64: 1, 128>}, {transform_indices = @transform_13, window_bounds = array<i64: 2000, 128>}]} {
    %get3A = arith.constant 0 : index
    %get3A_0 = arith.constant 0 : index
    %get3A_1 = vector.load %arg4[%get3A, %get3A_0] : memref<2000x1xf32, #tpu.memory_space<vmem>>, vector<2000x1xf32>
    %get3A_2 = arith.constant 0 : index
    %get3A_3 = arith.constant 0 : index
    %get3A_4 = vector.load %arg1[%get3A_2, %get3A_3] : memref<2000x32xf32, #tpu.memory_space<vmem>>, vector<2000x32xf32>
    %get3A_5 = arith.constant 0 : index
    %get3A_6 = arith.constant 0 : index
    %get3A_7 = vector.load %arg2[%get3A_5, %get3A_6] : memref<2000x32xf32, #tpu.memory_space<vmem>>, vector<2000x32xf32>
    %add3A = arith.addf %get3A_4, %get3A_7 : vector<2000x32xf32>
    %mul3A = vector.broadcast %get3A_1 : vector<2000x1xf32> to vector<2000x32xf32>
    %mul3A_8 = arith.mulf %add3A, %mul3A : vector<2000x32xf32>
    %get3A_9 = arith.constant 0 : index
    %get3A_10 = arith.constant 0 : index
    %get3A_11 = vector.load %arg3[%get3A_9, %get3A_10] : memref<2000x32xf32, #tpu.memory_space<vmem>>, vector<2000x32xf32>
    %mul3A_12 = arith.mulf %get3A_1, %get3A_1 : vector<2000x1xf32>
    %mul3A_13 = vector.broadcast %mul3A_12 : vector<2000x1xf32> to vector<2000x32xf32>
    %mul3A_14 = arith.mulf %get3A_11, %mul3A_13 : vector<2000x32xf32>
    %add3A_15 = arith.addf %mul3A_8, %mul3A_14 : vector<2000x32xf32>
    %get3A_16 = arith.constant 0 : index
    %get3A_17 = arith.constant 0 : index
    %get3A_18 = vector.load %arg8[%get3A_16, %get3A_17] : memref<256x128xf32, #tpu.memory_space<vmem>>, vector<256x128xf32>
    %slice3A = vector.extract_strided_slice %get3A_18 {offsets = [0, 0], sizes = [128, 128], strides = [1, 1]} : vector<256x128xf32> to vector<128x128xf32>
    %get3A_19 = arith.constant 0 : index
    %get3A_20 = arith.constant 0 : index
    %get3A_21 = vector.load %arg12[%get3A_19, %get3A_20] : memref<256x128xf32, #tpu.memory_space<vmem>>, vector<256x128xf32>
    %slice3A_22 = vector.extract_strided_slice %get3A_21 {offsets = [0, 0], sizes = [128, 128], strides = [1, 1]} : vector<256x128xf32> to vector<128x128xf32>
    %get3A_23 = arith.constant 0 : index
    %get3A_24 = arith.constant 0 : index
    %get3A_25 = vector.load %arg6[%get3A_23, %get3A_24] : memref<2x128xf32, #tpu.memory_space<vmem>>, vector<2x128xf32>
    %dot_general3A = arith.constant dense<0.000000e+00> : vector<2x128xf32>
    %dot_general3A_26 = tpu.matmul %get3A_25, %slice3A, %dot_general3A {dimension_numbers = #tpu.dot_dimension_numbers<[1], [0], [0], [1], [0, 0, 1, 1], [], []>, transpose_lhs_hint = false} : vector<2x128xf32>, vector<128x128xf32>, vector<2x128xf32> -> vector<2x128xf32>
    %get3A_27 = arith.constant 0 : index
    %get3A_28 = arith.constant 0 : index
    %get3A_29 = vector.load %arg10[%get3A_27, %get3A_28] : memref<2x128xf32, #tpu.memory_space<vmem>>, vector<2x128xf32>
    %dot_general3A_30 = arith.constant dense<0.000000e+00> : vector<2x128xf32>
    %dot_general3A_31 = tpu.matmul %get3A_29, %slice3A_22, %dot_general3A_30 {dimension_numbers = #tpu.dot_dimension_numbers<[1], [0], [0], [1], [0, 0, 1, 1], [], []>, transpose_lhs_hint = false} : vector<2x128xf32>, vector<128x128xf32>, vector<2x128xf32> -> vector<2x128xf32>
    %get3A_32 = arith.constant 0 : index
    %get3A_33 = arith.constant 0 : index
    %get3A_34 = vector.load %arg7[%get3A_32, %get3A_33] : memref<1x128xf32, #tpu.memory_space<vmem>>, vector<1x128xf32>
    %dot_general3A_35 = arith.constant dense<0.000000e+00> : vector<1x128xf32>
    %dot_general3A_36 = tpu.matmul %get3A_34, %slice3A, %dot_general3A_35 {dimension_numbers = #tpu.dot_dimension_numbers<[1], [0], [0], [1], [0, 0, 1, 1], [], []>, transpose_lhs_hint = false} : vector<1x128xf32>, vector<128x128xf32>, vector<1x128xf32> -> vector<1x128xf32>
    %get3A_37 = arith.constant 0 : index
    %get3A_38 = arith.constant 0 : index
    %get3A_39 = vector.load %arg9[%get3A_37, %get3A_38] : memref<1x128xf32, #tpu.memory_space<vmem>>, vector<1x128xf32>
    %add3A_40 = arith.addf %dot_general3A_36, %get3A_39 : vector<1x128xf32>
    %get3A_41 = arith.constant 0 : index
    %get3A_42 = arith.constant 0 : index
    %get3A_43 = vector.load %arg11[%get3A_41, %get3A_42] : memref<1x128xf32, #tpu.memory_space<vmem>>, vector<1x128xf32>
    %dot_general3A_44 = arith.constant dense<0.000000e+00> : vector<1x128xf32>
    %dot_general3A_45 = tpu.matmul %get3A_43, %slice3A_22, %dot_general3A_44 {dimension_numbers = #tpu.dot_dimension_numbers<[1], [0], [0], [1], [0, 0, 1, 1], [], []>, transpose_lhs_hint = false} : vector<1x128xf32>, vector<128x128xf32>, vector<1x128xf32> -> vector<1x128xf32>
    %get3A_46 = arith.constant 0 : index
    %get3A_47 = arith.constant 0 : index
    %get3A_48 = vector.load %arg13[%get3A_46, %get3A_47] : memref<1x128xf32, #tpu.memory_space<vmem>>, vector<1x128xf32>
    %add3A_49 = arith.addf %dot_general3A_45, %get3A_48 : vector<1x128xf32>
    %get3A_50 = arith.constant 0 : index
    %get3A_51 = arith.constant 0 : index
    %get3A_52 = vector.load %arg5[%get3A_50, %get3A_51] : memref<1x16xf32, #tpu.memory_space<vmem>>, vector<1x16xf32>
    %reduce_max3A = arith.constant dense<0xFF800000> : vector<1xf32>
    %reduce_max3A_53 = vector.multi_reduction <maximumf>, %get3A_52, %reduce_max3A [1] : vector<1x16xf32> to vector<1xf32>
    %broadcast_in_dim3A = vector.shape_cast %reduce_max3A_53 : vector<1xf32> to vector<1x1xf32>
    %sub3A = vector.broadcast %broadcast_in_dim3A : vector<1x1xf32> to vector<1x16xf32>
    %sub3A_54 = arith.subf %get3A_52, %sub3A : vector<1x16xf32>
    %exp3A = math.exp %sub3A_54 : vector<1x16xf32>
    %reduce_sum3A = arith.constant dense<0.000000e+00> : vector<1xf32>
    %reduce_sum3A_55 = vector.multi_reduction <add>, %exp3A, %reduce_sum3A [1] : vector<1x16xf32> to vector<1xf32>
    %broadcast_in_dim3A_56 = vector.shape_cast %reduce_sum3A_55 : vector<1xf32> to vector<1x1xf32>
    %div3A = vector.broadcast %broadcast_in_dim3A_56 : vector<1x1xf32> to vector<1x16xf32>
    %div3A_57 = arith.divf %exp3A, %div3A : vector<1x16xf32>
    %broadcast_in_dim3A_58 = arith.constant 0.000000e+00 : f32
    %broadcast_in_dim3A_59 = vector.broadcast %broadcast_in_dim3A_58 : f32 to vector<2000x128xf32>
    %slice3A_60 = vector.extract_strided_slice %add3A_15 {offsets = [0, 0], sizes = [2000, 1], strides = [1, 1]} : vector<2000x32xf32> to vector<2000x1xf32>
    %slice3A_61 = vector.extract_strided_slice %add3A_15 {offsets = [0, 16], sizes = [2000, 1], strides = [1, 1]} : vector<2000x32xf32> to vector<2000x1xf32>
    %slice3A_62 = vector.extract_strided_slice %dot_general3A_26 {offsets = [0, 0], sizes = [1, 128], strides = [1, 1]} : vector<2x128xf32> to vector<1x128xf32>
    %mul3A_63 = vector.broadcast %slice3A_60 : vector<2000x1xf32> to vector<2000x128xf32>
    %mul3A_64 = vector.broadcast %slice3A_62 : vector<1x128xf32> to vector<2000x128xf32>
    %mul3A_65 = arith.mulf %mul3A_63, %mul3A_64 : vector<2000x128xf32>
    %slice3A_66 = vector.extract_strided_slice %dot_general3A_26 {offsets = [1, 0], sizes = [1, 128], strides = [1, 1]} : vector<2x128xf32> to vector<1x128xf32>
    %mul3A_67 = vector.broadcast %slice3A_61 : vector<2000x1xf32> to vector<2000x128xf32>
    %mul3A_68 = vector.broadcast %slice3A_66 : vector<1x128xf32> to vector<2000x128xf32>
    %mul3A_69 = arith.mulf %mul3A_67, %mul3A_68 : vector<2000x128xf32>
    %add3A_70 = arith.addf %mul3A_65, %mul3A_69 : vector<2000x128xf32>
    %add3A_71 = vector.broadcast %add3A_40 : vector<1x128xf32> to vector<2000x128xf32>
    %add3A_72 = arith.addf %add3A_70, %add3A_71 : vector<2000x128xf32>
    %slice3A_73 = vector.extract_strided_slice %dot_general3A_31 {offsets = [0, 0], sizes = [1, 128], strides = [1, 1]} : vector<2x128xf32> to vector<1x128xf32>
    %mul3A_74 = vector.broadcast %slice3A_60 : vector<2000x1xf32> to vector<2000x128xf32>
    %mul3A_75 = vector.broadcast %slice3A_73 : vector<1x128xf32> to vector<2000x128xf32>
    %mul3A_76 = arith.mulf %mul3A_74, %mul3A_75 : vector<2000x128xf32>
    %slice3A_77 = vector.extract_strided_slice %dot_general3A_31 {offsets = [1, 0], sizes = [1, 128], strides = [1, 1]} : vector<2x128xf32> to vector<1x128xf32>
    %mul3A_78 = vector.broadcast %slice3A_61 : vector<2000x1xf32> to vector<2000x128xf32>
    %mul3A_79 = vector.broadcast %slice3A_77 : vector<1x128xf32> to vector<2000x128xf32>
    %mul3A_80 = arith.mulf %mul3A_78, %mul3A_79 : vector<2000x128xf32>
    %add3A_81 = arith.addf %mul3A_76, %mul3A_80 : vector<2000x128xf32>
    %add3A_82 = vector.broadcast %add3A_49 : vector<1x128xf32> to vector<2000x128xf32>
    %add3A_83 = arith.addf %add3A_81, %add3A_82 : vector<2000x128xf32>
    %logistic3A = arith.negf %add3A_72 : vector<2000x128xf32>
    %logistic3A_84 = math.exp %logistic3A : vector<2000x128xf32>
    %logistic3A_85 = arith.constant 1.000000e+00 : f32
    %logistic3A_86 = vector.broadcast %logistic3A_85 : f32 to vector<2000x128xf32>
    %logistic3A_87 = arith.addf %logistic3A_86, %logistic3A_84 : vector<2000x128xf32>
    %logistic3A_88 = arith.divf %logistic3A_86, %logistic3A_87 : vector<2000x128xf32>
    %tanh3A = math.tanh %add3A_83 : vector<2000x128xf32>
    %slice3A_89 = vector.extract_strided_slice %div3A_57 {offsets = [0, 0], sizes = [1, 1], strides = [1, 1]} : vector<1x16xf32> to vector<1x1xf32>
    %sub3A_90 = arith.constant 1.000000e+00 : f32
    %sub3A_91 = vector.broadcast %sub3A_90 : f32 to vector<2000x128xf32>
    %sub3A_92 = arith.subf %sub3A_91, %logistic3A_88 : vector<2000x128xf32>
    %mul3A_93 = arith.mulf %sub3A_92, %tanh3A : vector<2000x128xf32>
    %mul3A_94 = vector.broadcast %slice3A_89 : vector<1x1xf32> to vector<2000x128xf32>
    %mul3A_95 = arith.mulf %mul3A_94, %mul3A_93 : vector<2000x128xf32>
    %add3A_96 = arith.addf %broadcast_in_dim3A_59, %mul3A_95 : vector<2000x128xf32>
    %slice3A_97 = vector.extract_strided_slice %add3A_15 {offsets = [0, 1], sizes = [2000, 1], strides = [1, 1]} : vector<2000x32xf32> to vector<2000x1xf32>
    %slice3A_98 = vector.extract_strided_slice %add3A_15 {offsets = [0, 17], sizes = [2000, 1], strides = [1, 1]} : vector<2000x32xf32> to vector<2000x1xf32>
    %slice3A_99 = vector.extract_strided_slice %dot_general3A_26 {offsets = [0, 0], sizes = [1, 128], strides = [1, 1]} : vector<2x128xf32> to vector<1x128xf32>
    %mul3A_100 = vector.broadcast %slice3A_97 : vector<2000x1xf32> to vector<2000x128xf32>
    %mul3A_101 = vector.broadcast %slice3A_99 : vector<1x128xf32> to vector<2000x128xf32>
    %mul3A_102 = arith.mulf %mul3A_100, %mul3A_101 : vector<2000x128xf32>
    %slice3A_103 = vector.extract_strided_slice %dot_general3A_26 {offsets = [1, 0], sizes = [1, 128], strides = [1, 1]} : vector<2x128xf32> to vector<1x128xf32>
    %mul3A_104 = vector.broadcast %slice3A_98 : vector<2000x1xf32> to vector<2000x128xf32>
    %mul3A_105 = vector.broadcast %slice3A_103 : vector<1x128xf32> to vector<2000x128xf32>
    %mul3A_106 = arith.mulf %mul3A_104, %mul3A_105 : vector<2000x128xf32>
    %add3A_107 = arith.addf %mul3A_102, %mul3A_106 : vector<2000x128xf32>
    %add3A_108 = vector.broadcast %add3A_40 : vector<1x128xf32> to vector<2000x128xf32>
    %add3A_109 = arith.addf %add3A_107, %add3A_108 : vector<2000x128xf32>
    %slice3A_110 = vector.extract_strided_slice %dot_general3A_31 {offsets = [0, 0], sizes = [1, 128], strides = [1, 1]} : vector<2x128xf32> to vector<1x128xf32>
    %mul3A_111 = vector.broadcast %slice3A_97 : vector<2000x1xf32> to vector<2000x128xf32>
    %mul3A_112 = vector.broadcast %slice3A_110 : vector<1x128xf32> to vector<2000x128xf32>
    %mul3A_113 = arith.mulf %mul3A_111, %mul3A_112 : vector<2000x128xf32>
    %slice3A_114 = vector.extract_strided_slice %dot_general3A_31 {offsets = [1, 0], sizes = [1, 128], strides = [1, 1]} : vector<2x128xf32> to vector<1x128xf32>
    %mul3A_115 = vector.broadcast %slice3A_98 : vector<2000x1xf32> to vector<2000x128xf32>
    %mul3A_116 = vector.broadcast %slice3A_114 : vector<1x128xf32> to vector<2000x128xf32>
    %mul3A_117 = arith.mulf %mul3A_115, %mul3A_116 : vector<2000x128xf32>
    %add3A_118 = arith.addf %mul3A_113, %mul3A_117 : vector<2000x128xf32>
    %add3A_119 = vector.broadcast %add3A_49 : vector<1x128xf32> to vector<2000x128xf32>
    %add3A_120 = arith.addf %add3A_118, %add3A_119 : vector<2000x128xf32>
    %logistic3A_121 = arith.negf %add3A_109 : vector<2000x128xf32>
    %logistic3A_122 = math.exp %logistic3A_121 : vector<2000x128xf32>
    %logistic3A_123 = arith.constant 1.000000e+00 : f32
    %logistic3A_124 = vector.broadcast %logistic3A_123 : f32 to vector<2000x128xf32>
    %logistic3A_125 = arith.addf %logistic3A_124, %logistic3A_122 : vector<2000x128xf32>
    %logistic3A_126 = arith.divf %logistic3A_124, %logistic3A_125 : vector<2000x128xf32>
    %tanh3A_127 = math.tanh %add3A_120 : vector<2000x128xf32>
    %slice3A_128 = vector.extract_strided_slice %div3A_57 {offsets = [0, 1], sizes = [1, 1], strides = [1, 1]} : vector<1x16xf32> to vector<1x1xf32>
    %sub3A_129 = arith.constant 1.000000e+00 : f32
    %sub3A_130 = vector.broadcast %sub3A_129 : f32 to vector<2000x128xf32>
    %sub3A_131 = arith.subf %sub3A_130, %logistic3A_126 : vector<2000x128xf32>
    %mul3A_132 = arith.mulf %sub3A_131, %tanh3A_127 : vector<2000x128xf32>
    %mul3A_133 = vector.broadcast %slice3A_128 : vector<1x1xf32> to vector<2000x128xf32>
    %mul3A_134 = arith.mulf %mul3A_133, %mul3A_132 : vector<2000x128xf32>
    %add3A_135 = arith.addf %add3A_96, %mul3A_134 : vector<2000x128xf32>
    %slice3A_136 = vector.extract_strided_slice %add3A_15 {offsets = [0, 2], sizes = [2000, 1], strides = [1, 1]} : vector<2000x32xf32> to vector<2000x1xf32>
    %slice3A_137 = vector.extract_strided_slice %add3A_15 {offsets = [0, 18], sizes = [2000, 1], strides = [1, 1]} : vector<2000x32xf32> to vector<2000x1xf32>
    %slice3A_138 = vector.extract_strided_slice %dot_general3A_26 {offsets = [0, 0], sizes = [1, 128], strides = [1, 1]} : vector<2x128xf32> to vector<1x128xf32>
    %mul3A_139 = vector.broadcast %slice3A_136 : vector<2000x1xf32> to vector<2000x128xf32>
    %mul3A_140 = vector.broadcast %slice3A_138 : vector<1x128xf32> to vector<2000x128xf32>
    %mul3A_141 = arith.mulf %mul3A_139, %mul3A_140 : vector<2000x128xf32>
    %slice3A_142 = vector.extract_strided_slice %dot_general3A_26 {offsets = [1, 0], sizes = [1, 128], strides = [1, 1]} : vector<2x128xf32> to vector<1x128xf32>
    %mul3A_143 = vector.broadcast %slice3A_137 : vector<2000x1xf32> to vector<2000x128xf32>
    %mul3A_144 = vector.broadcast %slice3A_142 : vector<1x128xf32> to vector<2000x128xf32>
    %mul3A_145 = arith.mulf %mul3A_143, %mul3A_144 : vector<2000x128xf32>
    %add3A_146 = arith.addf %mul3A_141, %mul3A_145 : vector<2000x128xf32>
    %add3A_147 = vector.broadcast %add3A_40 : vector<1x128xf32> to vector<2000x128xf32>
    %add3A_148 = arith.addf %add3A_146, %add3A_147 : vector<2000x128xf32>
    %slice3A_149 = vector.extract_strided_slice %dot_general3A_31 {offsets = [0, 0], sizes = [1, 128], strides = [1, 1]} : vector<2x128xf32> to vector<1x128xf32>
    %mul3A_150 = vector.broadcast %slice3A_136 : vector<2000x1xf32> to vector<2000x128xf32>
    %mul3A_151 = vector.broadcast %slice3A_149 : vector<1x128xf32> to vector<2000x128xf32>
    %mul3A_152 = arith.mulf %mul3A_150, %mul3A_151 : vector<2000x128xf32>
    %slice3A_153 = vector.extract_strided_slice %dot_general3A_31 {offsets = [1, 0], sizes = [1, 128], strides = [1, 1]} : vector<2x128xf32> to vector<1x128xf32>
    %mul3A_154 = vector.broadcast %slice3A_137 : vector<2000x1xf32> to vector<2000x128xf32>
    %mul3A_155 = vector.broadcast %slice3A_153 : vector<1x128xf32> to vector<2000x128xf32>
    %mul3A_156 = arith.mulf %mul3A_154, %mul3A_155 : vector<2000x128xf32>
    %add3A_157 = arith.addf %mul3A_152, %mul3A_156 : vector<2000x128xf32>
    %add3A_158 = vector.broadcast %add3A_49 : vector<1x128xf32> to vector<2000x128xf32>
    %add3A_159 = arith.addf %add3A_157, %add3A_158 : vector<2000x128xf32>
    %logistic3A_160 = arith.negf %add3A_148 : vector<2000x128xf32>
    %logistic3A_161 = math.exp %logistic3A_160 : vector<2000x128xf32>
    %logistic3A_162 = arith.constant 1.000000e+00 : f32
    %logistic3A_163 = vector.broadcast %logistic3A_162 : f32 to vector<2000x128xf32>
    %logistic3A_164 = arith.addf %logistic3A_163, %logistic3A_161 : vector<2000x128xf32>
    %logistic3A_165 = arith.divf %logistic3A_163, %logistic3A_164 : vector<2000x128xf32>
    %tanh3A_166 = math.tanh %add3A_159 : vector<2000x128xf32>
    %slice3A_167 = vector.extract_strided_slice %div3A_57 {offsets = [0, 2], sizes = [1, 1], strides = [1, 1]} : vector<1x16xf32> to vector<1x1xf32>
    %sub3A_168 = arith.constant 1.000000e+00 : f32
    %sub3A_169 = vector.broadcast %sub3A_168 : f32 to vector<2000x128xf32>
    %sub3A_170 = arith.subf %sub3A_169, %logistic3A_165 : vector<2000x128xf32>
    %mul3A_171 = arith.mulf %sub3A_170, %tanh3A_166 : vector<2000x128xf32>
    %mul3A_172 = vector.broadcast %slice3A_167 : vector<1x1xf32> to vector<2000x128xf32>
    %mul3A_173 = arith.mulf %mul3A_172, %mul3A_171 : vector<2000x128xf32>
    %add3A_174 = arith.addf %add3A_135, %mul3A_173 : vector<2000x128xf32>
    %slice3A_175 = vector.extract_strided_slice %add3A_15 {offsets = [0, 3], sizes = [2000, 1], strides = [1, 1]} : vector<2000x32xf32> to vector<2000x1xf32>
    %slice3A_176 = vector.extract_strided_slice %add3A_15 {offsets = [0, 19], sizes = [2000, 1], strides = [1, 1]} : vector<2000x32xf32> to vector<2000x1xf32>
    %slice3A_177 = vector.extract_strided_slice %dot_general3A_26 {offsets = [0, 0], sizes = [1, 128], strides = [1, 1]} : vector<2x128xf32> to vector<1x128xf32>
    %mul3A_178 = vector.broadcast %slice3A_175 : vector<2000x1xf32> to vector<2000x128xf32>
    %mul3A_179 = vector.broadcast %slice3A_177 : vector<1x128xf32> to vector<2000x128xf32>
    %mul3A_180 = arith.mulf %mul3A_178, %mul3A_179 : vector<2000x128xf32>
    %slice3A_181 = vector.extract_strided_slice %dot_general3A_26 {offsets = [1, 0], sizes = [1, 128], strides = [1, 1]} : vector<2x128xf32> to vector<1x128xf32>
    %mul3A_182 = vector.broadcast %slice3A_176 : vector<2000x1xf32> to vector<2000x128xf32>
    %mul3A_183 = vector.broadcast %slice3A_181 : vector<1x128xf32> to vector<2000x128xf32>
    %mul3A_184 = arith.mulf %mul3A_182, %mul3A_183 : vector<2000x128xf32>
    %add3A_185 = arith.addf %mul3A_180, %mul3A_184 : vector<2000x128xf32>
    %add3A_186 = vector.broadcast %add3A_40 : vector<1x128xf32> to vector<2000x128xf32>
    %add3A_187 = arith.addf %add3A_185, %add3A_186 : vector<2000x128xf32>
    %slice3A_188 = vector.extract_strided_slice %dot_general3A_31 {offsets = [0, 0], sizes = [1, 128], strides = [1, 1]} : vector<2x128xf32> to vector<1x128xf32>
    %mul3A_189 = vector.broadcast %slice3A_175 : vector<2000x1xf32> to vector<2000x128xf32>
    %mul3A_190 = vector.broadcast %slice3A_188 : vector<1x128xf32> to vector<2000x128xf32>
    %mul3A_191 = arith.mulf %mul3A_189, %mul3A_190 : vector<2000x128xf32>
    %slice3A_192 = vector.extract_strided_slice %dot_general3A_31 {offsets = [1, 0], sizes = [1, 128], strides = [1, 1]} : vector<2x128xf32> to vector<1x128xf32>
    %mul3A_193 = vector.broadcast %slice3A_176 : vector<2000x1xf32> to vector<2000x128xf32>
    %mul3A_194 = vector.broadcast %slice3A_192 : vector<1x128xf32> to vector<2000x128xf32>
    %mul3A_195 = arith.mulf %mul3A_193, %mul3A_194 : vector<2000x128xf32>
    %add3A_196 = arith.addf %mul3A_191, %mul3A_195 : vector<2000x128xf32>
    %add3A_197 = vector.broadcast %add3A_49 : vector<1x128xf32> to vector<2000x128xf32>
    %add3A_198 = arith.addf %add3A_196, %add3A_197 : vector<2000x128xf32>
    %logistic3A_199 = arith.negf %add3A_187 : vector<2000x128xf32>
    %logistic3A_200 = math.exp %logistic3A_199 : vector<2000x128xf32>
    %logistic3A_201 = arith.constant 1.000000e+00 : f32
    %logistic3A_202 = vector.broadcast %logistic3A_201 : f32 to vector<2000x128xf32>
    %logistic3A_203 = arith.addf %logistic3A_202, %logistic3A_200 : vector<2000x128xf32>
    %logistic3A_204 = arith.divf %logistic3A_202, %logistic3A_203 : vector<2000x128xf32>
    %tanh3A_205 = math.tanh %add3A_198 : vector<2000x128xf32>
    %slice3A_206 = vector.extract_strided_slice %div3A_57 {offsets = [0, 3], sizes = [1, 1], strides = [1, 1]} : vector<1x16xf32> to vector<1x1xf32>
    %sub3A_207 = arith.constant 1.000000e+00 : f32
    %sub3A_208 = vector.broadcast %sub3A_207 : f32 to vector<2000x128xf32>
    %sub3A_209 = arith.subf %sub3A_208, %logistic3A_204 : vector<2000x128xf32>
    %mul3A_210 = arith.mulf %sub3A_209, %tanh3A_205 : vector<2000x128xf32>
    %mul3A_211 = vector.broadcast %slice3A_206 : vector<1x1xf32> to vector<2000x128xf32>
    %mul3A_212 = arith.mulf %mul3A_211, %mul3A_210 : vector<2000x128xf32>
    %add3A_213 = arith.addf %add3A_174, %mul3A_212 : vector<2000x128xf32>
    %slice3A_214 = vector.extract_strided_slice %add3A_15 {offsets = [0, 4], sizes = [2000, 1], strides = [1, 1]} : vector<2000x32xf32> to vector<2000x1xf32>
    %slice3A_215 = vector.extract_strided_slice %add3A_15 {offsets = [0, 20], sizes = [2000, 1], strides = [1, 1]} : vector<2000x32xf32> to vector<2000x1xf32>
    %slice3A_216 = vector.extract_strided_slice %dot_general3A_26 {offsets = [0, 0], sizes = [1, 128], strides = [1, 1]} : vector<2x128xf32> to vector<1x128xf32>
    %mul3A_217 = vector.broadcast %slice3A_214 : vector<2000x1xf32> to vector<2000x128xf32>
    %mul3A_218 = vector.broadcast %slice3A_216 : vector<1x128xf32> to vector<2000x128xf32>
    %mul3A_219 = arith.mulf %mul3A_217, %mul3A_218 : vector<2000x128xf32>
    %slice3A_220 = vector.extract_strided_slice %dot_general3A_26 {offsets = [1, 0], sizes = [1, 128], strides = [1, 1]} : vector<2x128xf32> to vector<1x128xf32>
    %mul3A_221 = vector.broadcast %slice3A_215 : vector<2000x1xf32> to vector<2000x128xf32>
    %mul3A_222 = vector.broadcast %slice3A_220 : vector<1x128xf32> to vector<2000x128xf32>
    %mul3A_223 = arith.mulf %mul3A_221, %mul3A_222 : vector<2000x128xf32>
    %add3A_224 = arith.addf %mul3A_219, %mul3A_223 : vector<2000x128xf32>
    %add3A_225 = vector.broadcast %add3A_40 : vector<1x128xf32> to vector<2000x128xf32>
    %add3A_226 = arith.addf %add3A_224, %add3A_225 : vector<2000x128xf32>
    %slice3A_227 = vector.extract_strided_slice %dot_general3A_31 {offsets = [0, 0], sizes = [1, 128], strides = [1, 1]} : vector<2x128xf32> to vector<1x128xf32>
    %mul3A_228 = vector.broadcast %slice3A_214 : vector<2000x1xf32> to vector<2000x128xf32>
    %mul3A_229 = vector.broadcast %slice3A_227 : vector<1x128xf32> to vector<2000x128xf32>
    %mul3A_230 = arith.mulf %mul3A_228, %mul3A_229 : vector<2000x128xf32>
    %slice3A_231 = vector.extract_strided_slice %dot_general3A_31 {offsets = [1, 0], sizes = [1, 128], strides = [1, 1]} : vector<2x128xf32> to vector<1x128xf32>
    %mul3A_232 = vector.broadcast %slice3A_215 : vector<2000x1xf32> to vector<2000x128xf32>
    %mul3A_233 = vector.broadcast %slice3A_231 : vector<1x128xf32> to vector<2000x128xf32>
    %mul3A_234 = arith.mulf %mul3A_232, %mul3A_233 : vector<2000x128xf32>
    %add3A_235 = arith.addf %mul3A_230, %mul3A_234 : vector<2000x128xf32>
    %add3A_236 = vector.broadcast %add3A_49 : vector<1x128xf32> to vector<2000x128xf32>
    %add3A_237 = arith.addf %add3A_235, %add3A_236 : vector<2000x128xf32>
    %logistic3A_238 = arith.negf %add3A_226 : vector<2000x128xf32>
    %logistic3A_239 = math.exp %logistic3A_238 : vector<2000x128xf32>
    %logistic3A_240 = arith.constant 1.000000e+00 : f32
    %logistic3A_241 = vector.broadcast %logistic3A_240 : f32 to vector<2000x128xf32>
    %logistic3A_242 = arith.addf %logistic3A_241, %logistic3A_239 : vector<2000x128xf32>
    %logistic3A_243 = arith.divf %logistic3A_241, %logistic3A_242 : vector<2000x128xf32>
    %tanh3A_244 = math.tanh %add3A_237 : vector<2000x128xf32>
    %slice3A_245 = vector.extract_strided_slice %div3A_57 {offsets = [0, 4], sizes = [1, 1], strides = [1, 1]} : vector<1x16xf32> to vector<1x1xf32>
    %sub3A_246 = arith.constant 1.000000e+00 : f32
    %sub3A_247 = vector.broadcast %sub3A_246 : f32 to vector<2000x128xf32>
    %sub3A_248 = arith.subf %sub3A_247, %logistic3A_243 : vector<2000x128xf32>
    %mul3A_249 = arith.mulf %sub3A_248, %tanh3A_244 : vector<2000x128xf32>
    %mul3A_250 = vector.broadcast %slice3A_245 : vector<1x1xf32> to vector<2000x128xf32>
    %mul3A_251 = arith.mulf %mul3A_250, %mul3A_249 : vector<2000x128xf32>
    %add3A_252 = arith.addf %add3A_213, %mul3A_251 : vector<2000x128xf32>
    %slice3A_253 = vector.extract_strided_slice %add3A_15 {offsets = [0, 5], sizes = [2000, 1], strides = [1, 1]} : vector<2000x32xf32> to vector<2000x1xf32>
    %slice3A_254 = vector.extract_strided_slice %add3A_15 {offsets = [0, 21], sizes = [2000, 1], strides = [1, 1]} : vector<2000x32xf32> to vector<2000x1xf32>
    %slice3A_255 = vector.extract_strided_slice %dot_general3A_26 {offsets = [0, 0], sizes = [1, 128], strides = [1, 1]} : vector<2x128xf32> to vector<1x128xf32>
    %mul3A_256 = vector.broadcast %slice3A_253 : vector<2000x1xf32> to vector<2000x128xf32>
    %mul3A_257 = vector.broadcast %slice3A_255 : vector<1x128xf32> to vector<2000x128xf32>
    %mul3A_258 = arith.mulf %mul3A_256, %mul3A_257 : vector<2000x128xf32>
    %slice3A_259 = vector.extract_strided_slice %dot_general3A_26 {offsets = [1, 0], sizes = [1, 128], strides = [1, 1]} : vector<2x128xf32> to vector<1x128xf32>
    %mul3A_260 = vector.broadcast %slice3A_254 : vector<2000x1xf32> to vector<2000x128xf32>
    %mul3A_261 = vector.broadcast %slice3A_259 : vector<1x128xf32> to vector<2000x128xf32>
    %mul3A_262 = arith.mulf %mul3A_260, %mul3A_261 : vector<2000x128xf32>
    %add3A_263 = arith.addf %mul3A_258, %mul3A_262 : vector<2000x128xf32>
    %add3A_264 = vector.broadcast %add3A_40 : vector<1x128xf32> to vector<2000x128xf32>
    %add3A_265 = arith.addf %add3A_263, %add3A_264 : vector<2000x128xf32>
    %slice3A_266 = vector.extract_strided_slice %dot_general3A_31 {offsets = [0, 0], sizes = [1, 128], strides = [1, 1]} : vector<2x128xf32> to vector<1x128xf32>
    %mul3A_267 = vector.broadcast %slice3A_253 : vector<2000x1xf32> to vector<2000x128xf32>
    %mul3A_268 = vector.broadcast %slice3A_266 : vector<1x128xf32> to vector<2000x128xf32>
    %mul3A_269 = arith.mulf %mul3A_267, %mul3A_268 : vector<2000x128xf32>
    %slice3A_270 = vector.extract_strided_slice %dot_general3A_31 {offsets = [1, 0], sizes = [1, 128], strides = [1, 1]} : vector<2x128xf32> to vector<1x128xf32>
    %mul3A_271 = vector.broadcast %slice3A_254 : vector<2000x1xf32> to vector<2000x128xf32>
    %mul3A_272 = vector.broadcast %slice3A_270 : vector<1x128xf32> to vector<2000x128xf32>
    %mul3A_273 = arith.mulf %mul3A_271, %mul3A_272 : vector<2000x128xf32>
    %add3A_274 = arith.addf %mul3A_269, %mul3A_273 : vector<2000x128xf32>
    %add3A_275 = vector.broadcast %add3A_49 : vector<1x128xf32> to vector<2000x128xf32>
    %add3A_276 = arith.addf %add3A_274, %add3A_275 : vector<2000x128xf32>
    %logistic3A_277 = arith.negf %add3A_265 : vector<2000x128xf32>
    %logistic3A_278 = math.exp %logistic3A_277 : vector<2000x128xf32>
    %logistic3A_279 = arith.constant 1.000000e+00 : f32
    %logistic3A_280 = vector.broadcast %logistic3A_279 : f32 to vector<2000x128xf32>
    %logistic3A_281 = arith.addf %logistic3A_280, %logistic3A_278 : vector<2000x128xf32>
    %logistic3A_282 = arith.divf %logistic3A_280, %logistic3A_281 : vector<2000x128xf32>
    %tanh3A_283 = math.tanh %add3A_276 : vector<2000x128xf32>
    %slice3A_284 = vector.extract_strided_slice %div3A_57 {offsets = [0, 5], sizes = [1, 1], strides = [1, 1]} : vector<1x16xf32> to vector<1x1xf32>
    %sub3A_285 = arith.constant 1.000000e+00 : f32
    %sub3A_286 = vector.broadcast %sub3A_285 : f32 to vector<2000x128xf32>
    %sub3A_287 = arith.subf %sub3A_286, %logistic3A_282 : vector<2000x128xf32>
    %mul3A_288 = arith.mulf %sub3A_287, %tanh3A_283 : vector<2000x128xf32>
    %mul3A_289 = vector.broadcast %slice3A_284 : vector<1x1xf32> to vector<2000x128xf32>
    %mul3A_290 = arith.mulf %mul3A_289, %mul3A_288 : vector<2000x128xf32>
    %add3A_291 = arith.addf %add3A_252, %mul3A_290 : vector<2000x128xf32>
    %slice3A_292 = vector.extract_strided_slice %add3A_15 {offsets = [0, 6], sizes = [2000, 1], strides = [1, 1]} : vector<2000x32xf32> to vector<2000x1xf32>
    %slice3A_293 = vector.extract_strided_slice %add3A_15 {offsets = [0, 22], sizes = [2000, 1], strides = [1, 1]} : vector<2000x32xf32> to vector<2000x1xf32>
    %slice3A_294 = vector.extract_strided_slice %dot_general3A_26 {offsets = [0, 0], sizes = [1, 128], strides = [1, 1]} : vector<2x128xf32> to vector<1x128xf32>
    %mul3A_295 = vector.broadcast %slice3A_292 : vector<2000x1xf32> to vector<2000x128xf32>
    %mul3A_296 = vector.broadcast %slice3A_294 : vector<1x128xf32> to vector<2000x128xf32>
    %mul3A_297 = arith.mulf %mul3A_295, %mul3A_296 : vector<2000x128xf32>
    %slice3A_298 = vector.extract_strided_slice %dot_general3A_26 {offsets = [1, 0], sizes = [1, 128], strides = [1, 1]} : vector<2x128xf32> to vector<1x128xf32>
    %mul3A_299 = vector.broadcast %slice3A_293 : vector<2000x1xf32> to vector<2000x128xf32>
    %mul3A_300 = vector.broadcast %slice3A_298 : vector<1x128xf32> to vector<2000x128xf32>
    %mul3A_301 = arith.mulf %mul3A_299, %mul3A_300 : vector<2000x128xf32>
    %add3A_302 = arith.addf %mul3A_297, %mul3A_301 : vector<2000x128xf32>
    %add3A_303 = vector.broadcast %add3A_40 : vector<1x128xf32> to vector<2000x128xf32>
    %add3A_304 = arith.addf %add3A_302, %add3A_303 : vector<2000x128xf32>
    %slice3A_305 = vector.extract_strided_slice %dot_general3A_31 {offsets = [0, 0], sizes = [1, 128], strides = [1, 1]} : vector<2x128xf32> to vector<1x128xf32>
    %mul3A_306 = vector.broadcast %slice3A_292 : vector<2000x1xf32> to vector<2000x128xf32>
    %mul3A_307 = vector.broadcast %slice3A_305 : vector<1x128xf32> to vector<2000x128xf32>
    %mul3A_308 = arith.mulf %mul3A_306, %mul3A_307 : vector<2000x128xf32>
    %slice3A_309 = vector.extract_strided_slice %dot_general3A_31 {offsets = [1, 0], sizes = [1, 128], strides = [1, 1]} : vector<2x128xf32> to vector<1x128xf32>
    %mul3A_310 = vector.broadcast %slice3A_293 : vector<2000x1xf32> to vector<2000x128xf32>
    %mul3A_311 = vector.broadcast %slice3A_309 : vector<1x128xf32> to vector<2000x128xf32>
    %mul3A_312 = arith.mulf %mul3A_310, %mul3A_311 : vector<2000x128xf32>
    %add3A_313 = arith.addf %mul3A_308, %mul3A_312 : vector<2000x128xf32>
    %add3A_314 = vector.broadcast %add3A_49 : vector<1x128xf32> to vector<2000x128xf32>
    %add3A_315 = arith.addf %add3A_313, %add3A_314 : vector<2000x128xf32>
    %logistic3A_316 = arith.negf %add3A_304 : vector<2000x128xf32>
    %logistic3A_317 = math.exp %logistic3A_316 : vector<2000x128xf32>
    %logistic3A_318 = arith.constant 1.000000e+00 : f32
    %logistic3A_319 = vector.broadcast %logistic3A_318 : f32 to vector<2000x128xf32>
    %logistic3A_320 = arith.addf %logistic3A_319, %logistic3A_317 : vector<2000x128xf32>
    %logistic3A_321 = arith.divf %logistic3A_319, %logistic3A_320 : vector<2000x128xf32>
    %tanh3A_322 = math.tanh %add3A_315 : vector<2000x128xf32>
    %slice3A_323 = vector.extract_strided_slice %div3A_57 {offsets = [0, 6], sizes = [1, 1], strides = [1, 1]} : vector<1x16xf32> to vector<1x1xf32>
    %sub3A_324 = arith.constant 1.000000e+00 : f32
    %sub3A_325 = vector.broadcast %sub3A_324 : f32 to vector<2000x128xf32>
    %sub3A_326 = arith.subf %sub3A_325, %logistic3A_321 : vector<2000x128xf32>
    %mul3A_327 = arith.mulf %sub3A_326, %tanh3A_322 : vector<2000x128xf32>
    %mul3A_328 = vector.broadcast %slice3A_323 : vector<1x1xf32> to vector<2000x128xf32>
    %mul3A_329 = arith.mulf %mul3A_328, %mul3A_327 : vector<2000x128xf32>
    %add3A_330 = arith.addf %add3A_291, %mul3A_329 : vector<2000x128xf32>
    %slice3A_331 = vector.extract_strided_slice %add3A_15 {offsets = [0, 7], sizes = [2000, 1], strides = [1, 1]} : vector<2000x32xf32> to vector<2000x1xf32>
    %slice3A_332 = vector.extract_strided_slice %add3A_15 {offsets = [0, 23], sizes = [2000, 1], strides = [1, 1]} : vector<2000x32xf32> to vector<2000x1xf32>
    %slice3A_333 = vector.extract_strided_slice %dot_general3A_26 {offsets = [0, 0], sizes = [1, 128], strides = [1, 1]} : vector<2x128xf32> to vector<1x128xf32>
    %mul3A_334 = vector.broadcast %slice3A_331 : vector<2000x1xf32> to vector<2000x128xf32>
    %mul3A_335 = vector.broadcast %slice3A_333 : vector<1x128xf32> to vector<2000x128xf32>
    %mul3A_336 = arith.mulf %mul3A_334, %mul3A_335 : vector<2000x128xf32>
    %slice3A_337 = vector.extract_strided_slice %dot_general3A_26 {offsets = [1, 0], sizes = [1, 128], strides = [1, 1]} : vector<2x128xf32> to vector<1x128xf32>
    %mul3A_338 = vector.broadcast %slice3A_332 : vector<2000x1xf32> to vector<2000x128xf32>
    %mul3A_339 = vector.broadcast %slice3A_337 : vector<1x128xf32> to vector<2000x128xf32>
    %mul3A_340 = arith.mulf %mul3A_338, %mul3A_339 : vector<2000x128xf32>
    %add3A_341 = arith.addf %mul3A_336, %mul3A_340 : vector<2000x128xf32>
    %add3A_342 = vector.broadcast %add3A_40 : vector<1x128xf32> to vector<2000x128xf32>
    %add3A_343 = arith.addf %add3A_341, %add3A_342 : vector<2000x128xf32>
    %slice3A_344 = vector.extract_strided_slice %dot_general3A_31 {offsets = [0, 0], sizes = [1, 128], strides = [1, 1]} : vector<2x128xf32> to vector<1x128xf32>
    %mul3A_345 = vector.broadcast %slice3A_331 : vector<2000x1xf32> to vector<2000x128xf32>
    %mul3A_346 = vector.broadcast %slice3A_344 : vector<1x128xf32> to vector<2000x128xf32>
    %mul3A_347 = arith.mulf %mul3A_345, %mul3A_346 : vector<2000x128xf32>
    %slice3A_348 = vector.extract_strided_slice %dot_general3A_31 {offsets = [1, 0], sizes = [1, 128], strides = [1, 1]} : vector<2x128xf32> to vector<1x128xf32>
    %mul3A_349 = vector.broadcast %slice3A_332 : vector<2000x1xf32> to vector<2000x128xf32>
    %mul3A_350 = vector.broadcast %slice3A_348 : vector<1x128xf32> to vector<2000x128xf32>
    %mul3A_351 = arith.mulf %mul3A_349, %mul3A_350 : vector<2000x128xf32>
    %add3A_352 = arith.addf %mul3A_347, %mul3A_351 : vector<2000x128xf32>
    %add3A_353 = vector.broadcast %add3A_49 : vector<1x128xf32> to vector<2000x128xf32>
    %add3A_354 = arith.addf %add3A_352, %add3A_353 : vector<2000x128xf32>
    %logistic3A_355 = arith.negf %add3A_343 : vector<2000x128xf32>
    %logistic3A_356 = math.exp %logistic3A_355 : vector<2000x128xf32>
    %logistic3A_357 = arith.constant 1.000000e+00 : f32
    %logistic3A_358 = vector.broadcast %logistic3A_357 : f32 to vector<2000x128xf32>
    %logistic3A_359 = arith.addf %logistic3A_358, %logistic3A_356 : vector<2000x128xf32>
    %logistic3A_360 = arith.divf %logistic3A_358, %logistic3A_359 : vector<2000x128xf32>
    %tanh3A_361 = math.tanh %add3A_354 : vector<2000x128xf32>
    %slice3A_362 = vector.extract_strided_slice %div3A_57 {offsets = [0, 7], sizes = [1, 1], strides = [1, 1]} : vector<1x16xf32> to vector<1x1xf32>
    %sub3A_363 = arith.constant 1.000000e+00 : f32
    %sub3A_364 = vector.broadcast %sub3A_363 : f32 to vector<2000x128xf32>
    %sub3A_365 = arith.subf %sub3A_364, %logistic3A_360 : vector<2000x128xf32>
    %mul3A_366 = arith.mulf %sub3A_365, %tanh3A_361 : vector<2000x128xf32>
    %mul3A_367 = vector.broadcast %slice3A_362 : vector<1x1xf32> to vector<2000x128xf32>
    %mul3A_368 = arith.mulf %mul3A_367, %mul3A_366 : vector<2000x128xf32>
    %add3A_369 = arith.addf %add3A_330, %mul3A_368 : vector<2000x128xf32>
    %slice3A_370 = vector.extract_strided_slice %add3A_15 {offsets = [0, 8], sizes = [2000, 1], strides = [1, 1]} : vector<2000x32xf32> to vector<2000x1xf32>
    %slice3A_371 = vector.extract_strided_slice %add3A_15 {offsets = [0, 24], sizes = [2000, 1], strides = [1, 1]} : vector<2000x32xf32> to vector<2000x1xf32>
    %slice3A_372 = vector.extract_strided_slice %dot_general3A_26 {offsets = [0, 0], sizes = [1, 128], strides = [1, 1]} : vector<2x128xf32> to vector<1x128xf32>
    %mul3A_373 = vector.broadcast %slice3A_370 : vector<2000x1xf32> to vector<2000x128xf32>
    %mul3A_374 = vector.broadcast %slice3A_372 : vector<1x128xf32> to vector<2000x128xf32>
    %mul3A_375 = arith.mulf %mul3A_373, %mul3A_374 : vector<2000x128xf32>
    %slice3A_376 = vector.extract_strided_slice %dot_general3A_26 {offsets = [1, 0], sizes = [1, 128], strides = [1, 1]} : vector<2x128xf32> to vector<1x128xf32>
    %mul3A_377 = vector.broadcast %slice3A_371 : vector<2000x1xf32> to vector<2000x128xf32>
    %mul3A_378 = vector.broadcast %slice3A_376 : vector<1x128xf32> to vector<2000x128xf32>
    %mul3A_379 = arith.mulf %mul3A_377, %mul3A_378 : vector<2000x128xf32>
    %add3A_380 = arith.addf %mul3A_375, %mul3A_379 : vector<2000x128xf32>
    %add3A_381 = vector.broadcast %add3A_40 : vector<1x128xf32> to vector<2000x128xf32>
    %add3A_382 = arith.addf %add3A_380, %add3A_381 : vector<2000x128xf32>
    %slice3A_383 = vector.extract_strided_slice %dot_general3A_31 {offsets = [0, 0], sizes = [1, 128], strides = [1, 1]} : vector<2x128xf32> to vector<1x128xf32>
    %mul3A_384 = vector.broadcast %slice3A_370 : vector<2000x1xf32> to vector<2000x128xf32>
    %mul3A_385 = vector.broadcast %slice3A_383 : vector<1x128xf32> to vector<2000x128xf32>
    %mul3A_386 = arith.mulf %mul3A_384, %mul3A_385 : vector<2000x128xf32>
    %slice3A_387 = vector.extract_strided_slice %dot_general3A_31 {offsets = [1, 0], sizes = [1, 128], strides = [1, 1]} : vector<2x128xf32> to vector<1x128xf32>
    %mul3A_388 = vector.broadcast %slice3A_371 : vector<2000x1xf32> to vector<2000x128xf32>
    %mul3A_389 = vector.broadcast %slice3A_387 : vector<1x128xf32> to vector<2000x128xf32>
    %mul3A_390 = arith.mulf %mul3A_388, %mul3A_389 : vector<2000x128xf32>
    %add3A_391 = arith.addf %mul3A_386, %mul3A_390 : vector<2000x128xf32>
    %add3A_392 = vector.broadcast %add3A_49 : vector<1x128xf32> to vector<2000x128xf32>
    %add3A_393 = arith.addf %add3A_391, %add3A_392 : vector<2000x128xf32>
    %logistic3A_394 = arith.negf %add3A_382 : vector<2000x128xf32>
    %logistic3A_395 = math.exp %logistic3A_394 : vector<2000x128xf32>
    %logistic3A_396 = arith.constant 1.000000e+00 : f32
    %logistic3A_397 = vector.broadcast %logistic3A_396 : f32 to vector<2000x128xf32>
    %logistic3A_398 = arith.addf %logistic3A_397, %logistic3A_395 : vector<2000x128xf32>
    %logistic3A_399 = arith.divf %logistic3A_397, %logistic3A_398 : vector<2000x128xf32>
    %tanh3A_400 = math.tanh %add3A_393 : vector<2000x128xf32>
    %slice3A_401 = vector.extract_strided_slice %div3A_57 {offsets = [0, 8], sizes = [1, 1], strides = [1, 1]} : vector<1x16xf32> to vector<1x1xf32>
    %sub3A_402 = arith.constant 1.000000e+00 : f32
    %sub3A_403 = vector.broadcast %sub3A_402 : f32 to vector<2000x128xf32>
    %sub3A_404 = arith.subf %sub3A_403, %logistic3A_399 : vector<2000x128xf32>
    %mul3A_405 = arith.mulf %sub3A_404, %tanh3A_400 : vector<2000x128xf32>
    %mul3A_406 = vector.broadcast %slice3A_401 : vector<1x1xf32> to vector<2000x128xf32>
    %mul3A_407 = arith.mulf %mul3A_406, %mul3A_405 : vector<2000x128xf32>
    %add3A_408 = arith.addf %add3A_369, %mul3A_407 : vector<2000x128xf32>
    %slice3A_409 = vector.extract_strided_slice %add3A_15 {offsets = [0, 9], sizes = [2000, 1], strides = [1, 1]} : vector<2000x32xf32> to vector<2000x1xf32>
    %slice3A_410 = vector.extract_strided_slice %add3A_15 {offsets = [0, 25], sizes = [2000, 1], strides = [1, 1]} : vector<2000x32xf32> to vector<2000x1xf32>
    %slice3A_411 = vector.extract_strided_slice %dot_general3A_26 {offsets = [0, 0], sizes = [1, 128], strides = [1, 1]} : vector<2x128xf32> to vector<1x128xf32>
    %mul3A_412 = vector.broadcast %slice3A_409 : vector<2000x1xf32> to vector<2000x128xf32>
    %mul3A_413 = vector.broadcast %slice3A_411 : vector<1x128xf32> to vector<2000x128xf32>
    %mul3A_414 = arith.mulf %mul3A_412, %mul3A_413 : vector<2000x128xf32>
    %slice3A_415 = vector.extract_strided_slice %dot_general3A_26 {offsets = [1, 0], sizes = [1, 128], strides = [1, 1]} : vector<2x128xf32> to vector<1x128xf32>
    %mul3A_416 = vector.broadcast %slice3A_410 : vector<2000x1xf32> to vector<2000x128xf32>
    %mul3A_417 = vector.broadcast %slice3A_415 : vector<1x128xf32> to vector<2000x128xf32>
    %mul3A_418 = arith.mulf %mul3A_416, %mul3A_417 : vector<2000x128xf32>
    %add3A_419 = arith.addf %mul3A_414, %mul3A_418 : vector<2000x128xf32>
    %add3A_420 = vector.broadcast %add3A_40 : vector<1x128xf32> to vector<2000x128xf32>
    %add3A_421 = arith.addf %add3A_419, %add3A_420 : vector<2000x128xf32>
    %slice3A_422 = vector.extract_strided_slice %dot_general3A_31 {offsets = [0, 0], sizes = [1, 128], strides = [1, 1]} : vector<2x128xf32> to vector<1x128xf32>
    %mul3A_423 = vector.broadcast %slice3A_409 : vector<2000x1xf32> to vector<2000x128xf32>
    %mul3A_424 = vector.broadcast %slice3A_422 : vector<1x128xf32> to vector<2000x128xf32>
    %mul3A_425 = arith.mulf %mul3A_423, %mul3A_424 : vector<2000x128xf32>
    %slice3A_426 = vector.extract_strided_slice %dot_general3A_31 {offsets = [1, 0], sizes = [1, 128], strides = [1, 1]} : vector<2x128xf32> to vector<1x128xf32>
    %mul3A_427 = vector.broadcast %slice3A_410 : vector<2000x1xf32> to vector<2000x128xf32>
    %mul3A_428 = vector.broadcast %slice3A_426 : vector<1x128xf32> to vector<2000x128xf32>
    %mul3A_429 = arith.mulf %mul3A_427, %mul3A_428 : vector<2000x128xf32>
    %add3A_430 = arith.addf %mul3A_425, %mul3A_429 : vector<2000x128xf32>
    %add3A_431 = vector.broadcast %add3A_49 : vector<1x128xf32> to vector<2000x128xf32>
    %add3A_432 = arith.addf %add3A_430, %add3A_431 : vector<2000x128xf32>
    %logistic3A_433 = arith.negf %add3A_421 : vector<2000x128xf32>
    %logistic3A_434 = math.exp %logistic3A_433 : vector<2000x128xf32>
    %logistic3A_435 = arith.constant 1.000000e+00 : f32
    %logistic3A_436 = vector.broadcast %logistic3A_435 : f32 to vector<2000x128xf32>
    %logistic3A_437 = arith.addf %logistic3A_436, %logistic3A_434 : vector<2000x128xf32>
    %logistic3A_438 = arith.divf %logistic3A_436, %logistic3A_437 : vector<2000x128xf32>
    %tanh3A_439 = math.tanh %add3A_432 : vector<2000x128xf32>
    %slice3A_440 = vector.extract_strided_slice %div3A_57 {offsets = [0, 9], sizes = [1, 1], strides = [1, 1]} : vector<1x16xf32> to vector<1x1xf32>
    %sub3A_441 = arith.constant 1.000000e+00 : f32
    %sub3A_442 = vector.broadcast %sub3A_441 : f32 to vector<2000x128xf32>
    %sub3A_443 = arith.subf %sub3A_442, %logistic3A_438 : vector<2000x128xf32>
    %mul3A_444 = arith.mulf %sub3A_443, %tanh3A_439 : vector<2000x128xf32>
    %mul3A_445 = vector.broadcast %slice3A_440 : vector<1x1xf32> to vector<2000x128xf32>
    %mul3A_446 = arith.mulf %mul3A_445, %mul3A_444 : vector<2000x128xf32>
    %add3A_447 = arith.addf %add3A_408, %mul3A_446 : vector<2000x128xf32>
    %slice3A_448 = vector.extract_strided_slice %add3A_15 {offsets = [0, 10], sizes = [2000, 1], strides = [1, 1]} : vector<2000x32xf32> to vector<2000x1xf32>
    %slice3A_449 = vector.extract_strided_slice %add3A_15 {offsets = [0, 26], sizes = [2000, 1], strides = [1, 1]} : vector<2000x32xf32> to vector<2000x1xf32>
    %slice3A_450 = vector.extract_strided_slice %dot_general3A_26 {offsets = [0, 0], sizes = [1, 128], strides = [1, 1]} : vector<2x128xf32> to vector<1x128xf32>
    %mul3A_451 = vector.broadcast %slice3A_448 : vector<2000x1xf32> to vector<2000x128xf32>
    %mul3A_452 = vector.broadcast %slice3A_450 : vector<1x128xf32> to vector<2000x128xf32>
    %mul3A_453 = arith.mulf %mul3A_451, %mul3A_452 : vector<2000x128xf32>
    %slice3A_454 = vector.extract_strided_slice %dot_general3A_26 {offsets = [1, 0], sizes = [1, 128], strides = [1, 1]} : vector<2x128xf32> to vector<1x128xf32>
    %mul3A_455 = vector.broadcast %slice3A_449 : vector<2000x1xf32> to vector<2000x128xf32>
    %mul3A_456 = vector.broadcast %slice3A_454 : vector<1x128xf32> to vector<2000x128xf32>
    %mul3A_457 = arith.mulf %mul3A_455, %mul3A_456 : vector<2000x128xf32>
    %add3A_458 = arith.addf %mul3A_453, %mul3A_457 : vector<2000x128xf32>
    %add3A_459 = vector.broadcast %add3A_40 : vector<1x128xf32> to vector<2000x128xf32>
    %add3A_460 = arith.addf %add3A_458, %add3A_459 : vector<2000x128xf32>
    %slice3A_461 = vector.extract_strided_slice %dot_general3A_31 {offsets = [0, 0], sizes = [1, 128], strides = [1, 1]} : vector<2x128xf32> to vector<1x128xf32>
    %mul3A_462 = vector.broadcast %slice3A_448 : vector<2000x1xf32> to vector<2000x128xf32>
    %mul3A_463 = vector.broadcast %slice3A_461 : vector<1x128xf32> to vector<2000x128xf32>
    %mul3A_464 = arith.mulf %mul3A_462, %mul3A_463 : vector<2000x128xf32>
    %slice3A_465 = vector.extract_strided_slice %dot_general3A_31 {offsets = [1, 0], sizes = [1, 128], strides = [1, 1]} : vector<2x128xf32> to vector<1x128xf32>
    %mul3A_466 = vector.broadcast %slice3A_449 : vector<2000x1xf32> to vector<2000x128xf32>
    %mul3A_467 = vector.broadcast %slice3A_465 : vector<1x128xf32> to vector<2000x128xf32>
    %mul3A_468 = arith.mulf %mul3A_466, %mul3A_467 : vector<2000x128xf32>
    %add3A_469 = arith.addf %mul3A_464, %mul3A_468 : vector<2000x128xf32>
    %add3A_470 = vector.broadcast %add3A_49 : vector<1x128xf32> to vector<2000x128xf32>
    %add3A_471 = arith.addf %add3A_469, %add3A_470 : vector<2000x128xf32>
    %logistic3A_472 = arith.negf %add3A_460 : vector<2000x128xf32>
    %logistic3A_473 = math.exp %logistic3A_472 : vector<2000x128xf32>
    %logistic3A_474 = arith.constant 1.000000e+00 : f32
    %logistic3A_475 = vector.broadcast %logistic3A_474 : f32 to vector<2000x128xf32>
    %logistic3A_476 = arith.addf %logistic3A_475, %logistic3A_473 : vector<2000x128xf32>
    %logistic3A_477 = arith.divf %logistic3A_475, %logistic3A_476 : vector<2000x128xf32>
    %tanh3A_478 = math.tanh %add3A_471 : vector<2000x128xf32>
    %slice3A_479 = vector.extract_strided_slice %div3A_57 {offsets = [0, 10], sizes = [1, 1], strides = [1, 1]} : vector<1x16xf32> to vector<1x1xf32>
    %sub3A_480 = arith.constant 1.000000e+00 : f32
    %sub3A_481 = vector.broadcast %sub3A_480 : f32 to vector<2000x128xf32>
    %sub3A_482 = arith.subf %sub3A_481, %logistic3A_477 : vector<2000x128xf32>
    %mul3A_483 = arith.mulf %sub3A_482, %tanh3A_478 : vector<2000x128xf32>
    %mul3A_484 = vector.broadcast %slice3A_479 : vector<1x1xf32> to vector<2000x128xf32>
    %mul3A_485 = arith.mulf %mul3A_484, %mul3A_483 : vector<2000x128xf32>
    %add3A_486 = arith.addf %add3A_447, %mul3A_485 : vector<2000x128xf32>
    %slice3A_487 = vector.extract_strided_slice %add3A_15 {offsets = [0, 11], sizes = [2000, 1], strides = [1, 1]} : vector<2000x32xf32> to vector<2000x1xf32>
    %slice3A_488 = vector.extract_strided_slice %add3A_15 {offsets = [0, 27], sizes = [2000, 1], strides = [1, 1]} : vector<2000x32xf32> to vector<2000x1xf32>
    %slice3A_489 = vector.extract_strided_slice %dot_general3A_26 {offsets = [0, 0], sizes = [1, 128], strides = [1, 1]} : vector<2x128xf32> to vector<1x128xf32>
    %mul3A_490 = vector.broadcast %slice3A_487 : vector<2000x1xf32> to vector<2000x128xf32>
    %mul3A_491 = vector.broadcast %slice3A_489 : vector<1x128xf32> to vector<2000x128xf32>
    %mul3A_492 = arith.mulf %mul3A_490, %mul3A_491 : vector<2000x128xf32>
    %slice3A_493 = vector.extract_strided_slice %dot_general3A_26 {offsets = [1, 0], sizes = [1, 128], strides = [1, 1]} : vector<2x128xf32> to vector<1x128xf32>
    %mul3A_494 = vector.broadcast %slice3A_488 : vector<2000x1xf32> to vector<2000x128xf32>
    %mul3A_495 = vector.broadcast %slice3A_493 : vector<1x128xf32> to vector<2000x128xf32>
    %mul3A_496 = arith.mulf %mul3A_494, %mul3A_495 : vector<2000x128xf32>
    %add3A_497 = arith.addf %mul3A_492, %mul3A_496 : vector<2000x128xf32>
    %add3A_498 = vector.broadcast %add3A_40 : vector<1x128xf32> to vector<2000x128xf32>
    %add3A_499 = arith.addf %add3A_497, %add3A_498 : vector<2000x128xf32>
    %slice3A_500 = vector.extract_strided_slice %dot_general3A_31 {offsets = [0, 0], sizes = [1, 128], strides = [1, 1]} : vector<2x128xf32> to vector<1x128xf32>
    %mul3A_501 = vector.broadcast %slice3A_487 : vector<2000x1xf32> to vector<2000x128xf32>
    %mul3A_502 = vector.broadcast %slice3A_500 : vector<1x128xf32> to vector<2000x128xf32>
    %mul3A_503 = arith.mulf %mul3A_501, %mul3A_502 : vector<2000x128xf32>
    %slice3A_504 = vector.extract_strided_slice %dot_general3A_31 {offsets = [1, 0], sizes = [1, 128], strides = [1, 1]} : vector<2x128xf32> to vector<1x128xf32>
    %mul3A_505 = vector.broadcast %slice3A_488 : vector<2000x1xf32> to vector<2000x128xf32>
    %mul3A_506 = vector.broadcast %slice3A_504 : vector<1x128xf32> to vector<2000x128xf32>
    %mul3A_507 = arith.mulf %mul3A_505, %mul3A_506 : vector<2000x128xf32>
    %add3A_508 = arith.addf %mul3A_503, %mul3A_507 : vector<2000x128xf32>
    %add3A_509 = vector.broadcast %add3A_49 : vector<1x128xf32> to vector<2000x128xf32>
    %add3A_510 = arith.addf %add3A_508, %add3A_509 : vector<2000x128xf32>
    %logistic3A_511 = arith.negf %add3A_499 : vector<2000x128xf32>
    %logistic3A_512 = math.exp %logistic3A_511 : vector<2000x128xf32>
    %logistic3A_513 = arith.constant 1.000000e+00 : f32
    %logistic3A_514 = vector.broadcast %logistic3A_513 : f32 to vector<2000x128xf32>
    %logistic3A_515 = arith.addf %logistic3A_514, %logistic3A_512 : vector<2000x128xf32>
    %logistic3A_516 = arith.divf %logistic3A_514, %logistic3A_515 : vector<2000x128xf32>
    %tanh3A_517 = math.tanh %add3A_510 : vector<2000x128xf32>
    %slice3A_518 = vector.extract_strided_slice %div3A_57 {offsets = [0, 11], sizes = [1, 1], strides = [1, 1]} : vector<1x16xf32> to vector<1x1xf32>
    %sub3A_519 = arith.constant 1.000000e+00 : f32
    %sub3A_520 = vector.broadcast %sub3A_519 : f32 to vector<2000x128xf32>
    %sub3A_521 = arith.subf %sub3A_520, %logistic3A_516 : vector<2000x128xf32>
    %mul3A_522 = arith.mulf %sub3A_521, %tanh3A_517 : vector<2000x128xf32>
    %mul3A_523 = vector.broadcast %slice3A_518 : vector<1x1xf32> to vector<2000x128xf32>
    %mul3A_524 = arith.mulf %mul3A_523, %mul3A_522 : vector<2000x128xf32>
    %add3A_525 = arith.addf %add3A_486, %mul3A_524 : vector<2000x128xf32>
    %slice3A_526 = vector.extract_strided_slice %add3A_15 {offsets = [0, 12], sizes = [2000, 1], strides = [1, 1]} : vector<2000x32xf32> to vector<2000x1xf32>
    %slice3A_527 = vector.extract_strided_slice %add3A_15 {offsets = [0, 28], sizes = [2000, 1], strides = [1, 1]} : vector<2000x32xf32> to vector<2000x1xf32>
    %slice3A_528 = vector.extract_strided_slice %dot_general3A_26 {offsets = [0, 0], sizes = [1, 128], strides = [1, 1]} : vector<2x128xf32> to vector<1x128xf32>
    %mul3A_529 = vector.broadcast %slice3A_526 : vector<2000x1xf32> to vector<2000x128xf32>
    %mul3A_530 = vector.broadcast %slice3A_528 : vector<1x128xf32> to vector<2000x128xf32>
    %mul3A_531 = arith.mulf %mul3A_529, %mul3A_530 : vector<2000x128xf32>
    %slice3A_532 = vector.extract_strided_slice %dot_general3A_26 {offsets = [1, 0], sizes = [1, 128], strides = [1, 1]} : vector<2x128xf32> to vector<1x128xf32>
    %mul3A_533 = vector.broadcast %slice3A_527 : vector<2000x1xf32> to vector<2000x128xf32>
    %mul3A_534 = vector.broadcast %slice3A_532 : vector<1x128xf32> to vector<2000x128xf32>
    %mul3A_535 = arith.mulf %mul3A_533, %mul3A_534 : vector<2000x128xf32>
    %add3A_536 = arith.addf %mul3A_531, %mul3A_535 : vector<2000x128xf32>
    %add3A_537 = vector.broadcast %add3A_40 : vector<1x128xf32> to vector<2000x128xf32>
    %add3A_538 = arith.addf %add3A_536, %add3A_537 : vector<2000x128xf32>
    %slice3A_539 = vector.extract_strided_slice %dot_general3A_31 {offsets = [0, 0], sizes = [1, 128], strides = [1, 1]} : vector<2x128xf32> to vector<1x128xf32>
    %mul3A_540 = vector.broadcast %slice3A_526 : vector<2000x1xf32> to vector<2000x128xf32>
    %mul3A_541 = vector.broadcast %slice3A_539 : vector<1x128xf32> to vector<2000x128xf32>
    %mul3A_542 = arith.mulf %mul3A_540, %mul3A_541 : vector<2000x128xf32>
    %slice3A_543 = vector.extract_strided_slice %dot_general3A_31 {offsets = [1, 0], sizes = [1, 128], strides = [1, 1]} : vector<2x128xf32> to vector<1x128xf32>
    %mul3A_544 = vector.broadcast %slice3A_527 : vector<2000x1xf32> to vector<2000x128xf32>
    %mul3A_545 = vector.broadcast %slice3A_543 : vector<1x128xf32> to vector<2000x128xf32>
    %mul3A_546 = arith.mulf %mul3A_544, %mul3A_545 : vector<2000x128xf32>
    %add3A_547 = arith.addf %mul3A_542, %mul3A_546 : vector<2000x128xf32>
    %add3A_548 = vector.broadcast %add3A_49 : vector<1x128xf32> to vector<2000x128xf32>
    %add3A_549 = arith.addf %add3A_547, %add3A_548 : vector<2000x128xf32>
    %logistic3A_550 = arith.negf %add3A_538 : vector<2000x128xf32>
    %logistic3A_551 = math.exp %logistic3A_550 : vector<2000x128xf32>
    %logistic3A_552 = arith.constant 1.000000e+00 : f32
    %logistic3A_553 = vector.broadcast %logistic3A_552 : f32 to vector<2000x128xf32>
    %logistic3A_554 = arith.addf %logistic3A_553, %logistic3A_551 : vector<2000x128xf32>
    %logistic3A_555 = arith.divf %logistic3A_553, %logistic3A_554 : vector<2000x128xf32>
    %tanh3A_556 = math.tanh %add3A_549 : vector<2000x128xf32>
    %slice3A_557 = vector.extract_strided_slice %div3A_57 {offsets = [0, 12], sizes = [1, 1], strides = [1, 1]} : vector<1x16xf32> to vector<1x1xf32>
    %sub3A_558 = arith.constant 1.000000e+00 : f32
    %sub3A_559 = vector.broadcast %sub3A_558 : f32 to vector<2000x128xf32>
    %sub3A_560 = arith.subf %sub3A_559, %logistic3A_555 : vector<2000x128xf32>
    %mul3A_561 = arith.mulf %sub3A_560, %tanh3A_556 : vector<2000x128xf32>
    %mul3A_562 = vector.broadcast %slice3A_557 : vector<1x1xf32> to vector<2000x128xf32>
    %mul3A_563 = arith.mulf %mul3A_562, %mul3A_561 : vector<2000x128xf32>
    %add3A_564 = arith.addf %add3A_525, %mul3A_563 : vector<2000x128xf32>
    %slice3A_565 = vector.extract_strided_slice %add3A_15 {offsets = [0, 13], sizes = [2000, 1], strides = [1, 1]} : vector<2000x32xf32> to vector<2000x1xf32>
    %slice3A_566 = vector.extract_strided_slice %add3A_15 {offsets = [0, 29], sizes = [2000, 1], strides = [1, 1]} : vector<2000x32xf32> to vector<2000x1xf32>
    %slice3A_567 = vector.extract_strided_slice %dot_general3A_26 {offsets = [0, 0], sizes = [1, 128], strides = [1, 1]} : vector<2x128xf32> to vector<1x128xf32>
    %mul3A_568 = vector.broadcast %slice3A_565 : vector<2000x1xf32> to vector<2000x128xf32>
    %mul3A_569 = vector.broadcast %slice3A_567 : vector<1x128xf32> to vector<2000x128xf32>
    %mul3A_570 = arith.mulf %mul3A_568, %mul3A_569 : vector<2000x128xf32>
    %slice3A_571 = vector.extract_strided_slice %dot_general3A_26 {offsets = [1, 0], sizes = [1, 128], strides = [1, 1]} : vector<2x128xf32> to vector<1x128xf32>
    %mul3A_572 = vector.broadcast %slice3A_566 : vector<2000x1xf32> to vector<2000x128xf32>
    %mul3A_573 = vector.broadcast %slice3A_571 : vector<1x128xf32> to vector<2000x128xf32>
    %mul3A_574 = arith.mulf %mul3A_572, %mul3A_573 : vector<2000x128xf32>
    %add3A_575 = arith.addf %mul3A_570, %mul3A_574 : vector<2000x128xf32>
    %add3A_576 = vector.broadcast %add3A_40 : vector<1x128xf32> to vector<2000x128xf32>
    %add3A_577 = arith.addf %add3A_575, %add3A_576 : vector<2000x128xf32>
    %slice3A_578 = vector.extract_strided_slice %dot_general3A_31 {offsets = [0, 0], sizes = [1, 128], strides = [1, 1]} : vector<2x128xf32> to vector<1x128xf32>
    %mul3A_579 = vector.broadcast %slice3A_565 : vector<2000x1xf32> to vector<2000x128xf32>
    %mul3A_580 = vector.broadcast %slice3A_578 : vector<1x128xf32> to vector<2000x128xf32>
    %mul3A_581 = arith.mulf %mul3A_579, %mul3A_580 : vector<2000x128xf32>
    %slice3A_582 = vector.extract_strided_slice %dot_general3A_31 {offsets = [1, 0], sizes = [1, 128], strides = [1, 1]} : vector<2x128xf32> to vector<1x128xf32>
    %mul3A_583 = vector.broadcast %slice3A_566 : vector<2000x1xf32> to vector<2000x128xf32>
    %mul3A_584 = vector.broadcast %slice3A_582 : vector<1x128xf32> to vector<2000x128xf32>
    %mul3A_585 = arith.mulf %mul3A_583, %mul3A_584 : vector<2000x128xf32>
    %add3A_586 = arith.addf %mul3A_581, %mul3A_585 : vector<2000x128xf32>
    %add3A_587 = vector.broadcast %add3A_49 : vector<1x128xf32> to vector<2000x128xf32>
    %add3A_588 = arith.addf %add3A_586, %add3A_587 : vector<2000x128xf32>
    %logistic3A_589 = arith.negf %add3A_577 : vector<2000x128xf32>
    %logistic3A_590 = math.exp %logistic3A_589 : vector<2000x128xf32>
    %logistic3A_591 = arith.constant 1.000000e+00 : f32
    %logistic3A_592 = vector.broadcast %logistic3A_591 : f32 to vector<2000x128xf32>
    %logistic3A_593 = arith.addf %logistic3A_592, %logistic3A_590 : vector<2000x128xf32>
    %logistic3A_594 = arith.divf %logistic3A_592, %logistic3A_593 : vector<2000x128xf32>
    %tanh3A_595 = math.tanh %add3A_588 : vector<2000x128xf32>
    %slice3A_596 = vector.extract_strided_slice %div3A_57 {offsets = [0, 13], sizes = [1, 1], strides = [1, 1]} : vector<1x16xf32> to vector<1x1xf32>
    %sub3A_597 = arith.constant 1.000000e+00 : f32
    %sub3A_598 = vector.broadcast %sub3A_597 : f32 to vector<2000x128xf32>
    %sub3A_599 = arith.subf %sub3A_598, %logistic3A_594 : vector<2000x128xf32>
    %mul3A_600 = arith.mulf %sub3A_599, %tanh3A_595 : vector<2000x128xf32>
    %mul3A_601 = vector.broadcast %slice3A_596 : vector<1x1xf32> to vector<2000x128xf32>
    %mul3A_602 = arith.mulf %mul3A_601, %mul3A_600 : vector<2000x128xf32>
    %add3A_603 = arith.addf %add3A_564, %mul3A_602 : vector<2000x128xf32>
    %slice3A_604 = vector.extract_strided_slice %add3A_15 {offsets = [0, 14], sizes = [2000, 1], strides = [1, 1]} : vector<2000x32xf32> to vector<2000x1xf32>
    %slice3A_605 = vector.extract_strided_slice %add3A_15 {offsets = [0, 30], sizes = [2000, 1], strides = [1, 1]} : vector<2000x32xf32> to vector<2000x1xf32>
    %slice3A_606 = vector.extract_strided_slice %dot_general3A_26 {offsets = [0, 0], sizes = [1, 128], strides = [1, 1]} : vector<2x128xf32> to vector<1x128xf32>
    %mul3A_607 = vector.broadcast %slice3A_604 : vector<2000x1xf32> to vector<2000x128xf32>
    %mul3A_608 = vector.broadcast %slice3A_606 : vector<1x128xf32> to vector<2000x128xf32>
    %mul3A_609 = arith.mulf %mul3A_607, %mul3A_608 : vector<2000x128xf32>
    %slice3A_610 = vector.extract_strided_slice %dot_general3A_26 {offsets = [1, 0], sizes = [1, 128], strides = [1, 1]} : vector<2x128xf32> to vector<1x128xf32>
    %mul3A_611 = vector.broadcast %slice3A_605 : vector<2000x1xf32> to vector<2000x128xf32>
    %mul3A_612 = vector.broadcast %slice3A_610 : vector<1x128xf32> to vector<2000x128xf32>
    %mul3A_613 = arith.mulf %mul3A_611, %mul3A_612 : vector<2000x128xf32>
    %add3A_614 = arith.addf %mul3A_609, %mul3A_613 : vector<2000x128xf32>
    %add3A_615 = vector.broadcast %add3A_40 : vector<1x128xf32> to vector<2000x128xf32>
    %add3A_616 = arith.addf %add3A_614, %add3A_615 : vector<2000x128xf32>
    %slice3A_617 = vector.extract_strided_slice %dot_general3A_31 {offsets = [0, 0], sizes = [1, 128], strides = [1, 1]} : vector<2x128xf32> to vector<1x128xf32>
    %mul3A_618 = vector.broadcast %slice3A_604 : vector<2000x1xf32> to vector<2000x128xf32>
    %mul3A_619 = vector.broadcast %slice3A_617 : vector<1x128xf32> to vector<2000x128xf32>
    %mul3A_620 = arith.mulf %mul3A_618, %mul3A_619 : vector<2000x128xf32>
    %slice3A_621 = vector.extract_strided_slice %dot_general3A_31 {offsets = [1, 0], sizes = [1, 128], strides = [1, 1]} : vector<2x128xf32> to vector<1x128xf32>
    %mul3A_622 = vector.broadcast %slice3A_605 : vector<2000x1xf32> to vector<2000x128xf32>
    %mul3A_623 = vector.broadcast %slice3A_621 : vector<1x128xf32> to vector<2000x128xf32>
    %mul3A_624 = arith.mulf %mul3A_622, %mul3A_623 : vector<2000x128xf32>
    %add3A_625 = arith.addf %mul3A_620, %mul3A_624 : vector<2000x128xf32>
    %add3A_626 = vector.broadcast %add3A_49 : vector<1x128xf32> to vector<2000x128xf32>
    %add3A_627 = arith.addf %add3A_625, %add3A_626 : vector<2000x128xf32>
    %logistic3A_628 = arith.negf %add3A_616 : vector<2000x128xf32>
    %logistic3A_629 = math.exp %logistic3A_628 : vector<2000x128xf32>
    %logistic3A_630 = arith.constant 1.000000e+00 : f32
    %logistic3A_631 = vector.broadcast %logistic3A_630 : f32 to vector<2000x128xf32>
    %logistic3A_632 = arith.addf %logistic3A_631, %logistic3A_629 : vector<2000x128xf32>
    %logistic3A_633 = arith.divf %logistic3A_631, %logistic3A_632 : vector<2000x128xf32>
    %tanh3A_634 = math.tanh %add3A_627 : vector<2000x128xf32>
    %slice3A_635 = vector.extract_strided_slice %div3A_57 {offsets = [0, 14], sizes = [1, 1], strides = [1, 1]} : vector<1x16xf32> to vector<1x1xf32>
    %sub3A_636 = arith.constant 1.000000e+00 : f32
    %sub3A_637 = vector.broadcast %sub3A_636 : f32 to vector<2000x128xf32>
    %sub3A_638 = arith.subf %sub3A_637, %logistic3A_633 : vector<2000x128xf32>
    %mul3A_639 = arith.mulf %sub3A_638, %tanh3A_634 : vector<2000x128xf32>
    %mul3A_640 = vector.broadcast %slice3A_635 : vector<1x1xf32> to vector<2000x128xf32>
    %mul3A_641 = arith.mulf %mul3A_640, %mul3A_639 : vector<2000x128xf32>
    %add3A_642 = arith.addf %add3A_603, %mul3A_641 : vector<2000x128xf32>
    %slice3A_643 = vector.extract_strided_slice %add3A_15 {offsets = [0, 15], sizes = [2000, 1], strides = [1, 1]} : vector<2000x32xf32> to vector<2000x1xf32>
    %slice3A_644 = vector.extract_strided_slice %add3A_15 {offsets = [0, 31], sizes = [2000, 1], strides = [1, 1]} : vector<2000x32xf32> to vector<2000x1xf32>
    %slice3A_645 = vector.extract_strided_slice %dot_general3A_26 {offsets = [0, 0], sizes = [1, 128], strides = [1, 1]} : vector<2x128xf32> to vector<1x128xf32>
    %mul3A_646 = vector.broadcast %slice3A_643 : vector<2000x1xf32> to vector<2000x128xf32>
    %mul3A_647 = vector.broadcast %slice3A_645 : vector<1x128xf32> to vector<2000x128xf32>
    %mul3A_648 = arith.mulf %mul3A_646, %mul3A_647 : vector<2000x128xf32>
    %slice3A_649 = vector.extract_strided_slice %dot_general3A_26 {offsets = [1, 0], sizes = [1, 128], strides = [1, 1]} : vector<2x128xf32> to vector<1x128xf32>
    %mul3A_650 = vector.broadcast %slice3A_644 : vector<2000x1xf32> to vector<2000x128xf32>
    %mul3A_651 = vector.broadcast %slice3A_649 : vector<1x128xf32> to vector<2000x128xf32>
    %mul3A_652 = arith.mulf %mul3A_650, %mul3A_651 : vector<2000x128xf32>
    %add3A_653 = arith.addf %mul3A_648, %mul3A_652 : vector<2000x128xf32>
    %add3A_654 = vector.broadcast %add3A_40 : vector<1x128xf32> to vector<2000x128xf32>
    %add3A_655 = arith.addf %add3A_653, %add3A_654 : vector<2000x128xf32>
    %slice3A_656 = vector.extract_strided_slice %dot_general3A_31 {offsets = [0, 0], sizes = [1, 128], strides = [1, 1]} : vector<2x128xf32> to vector<1x128xf32>
    %mul3A_657 = vector.broadcast %slice3A_643 : vector<2000x1xf32> to vector<2000x128xf32>
    %mul3A_658 = vector.broadcast %slice3A_656 : vector<1x128xf32> to vector<2000x128xf32>
    %mul3A_659 = arith.mulf %mul3A_657, %mul3A_658 : vector<2000x128xf32>
    %slice3A_660 = vector.extract_strided_slice %dot_general3A_31 {offsets = [1, 0], sizes = [1, 128], strides = [1, 1]} : vector<2x128xf32> to vector<1x128xf32>
    %mul3A_661 = vector.broadcast %slice3A_644 : vector<2000x1xf32> to vector<2000x128xf32>
    %mul3A_662 = vector.broadcast %slice3A_660 : vector<1x128xf32> to vector<2000x128xf32>
    %mul3A_663 = arith.mulf %mul3A_661, %mul3A_662 : vector<2000x128xf32>
    %add3A_664 = arith.addf %mul3A_659, %mul3A_663 : vector<2000x128xf32>
    %add3A_665 = vector.broadcast %add3A_49 : vector<1x128xf32> to vector<2000x128xf32>
    %add3A_666 = arith.addf %add3A_664, %add3A_665 : vector<2000x128xf32>
    %logistic3A_667 = arith.negf %add3A_655 : vector<2000x128xf32>
    %logistic3A_668 = math.exp %logistic3A_667 : vector<2000x128xf32>
    %logistic3A_669 = arith.constant 1.000000e+00 : f32
    %logistic3A_670 = vector.broadcast %logistic3A_669 : f32 to vector<2000x128xf32>
    %logistic3A_671 = arith.addf %logistic3A_670, %logistic3A_668 : vector<2000x128xf32>
    %logistic3A_672 = arith.divf %logistic3A_670, %logistic3A_671 : vector<2000x128xf32>
    %tanh3A_673 = math.tanh %add3A_666 : vector<2000x128xf32>
    %slice3A_674 = vector.extract_strided_slice %div3A_57 {offsets = [0, 15], sizes = [1, 1], strides = [1, 1]} : vector<1x16xf32> to vector<1x1xf32>
    %sub3A_675 = arith.constant 1.000000e+00 : f32
    %sub3A_676 = vector.broadcast %sub3A_675 : f32 to vector<2000x128xf32>
    %sub3A_677 = arith.subf %sub3A_676, %logistic3A_672 : vector<2000x128xf32>
    %mul3A_678 = arith.mulf %sub3A_677, %tanh3A_673 : vector<2000x128xf32>
    %mul3A_679 = vector.broadcast %slice3A_674 : vector<1x1xf32> to vector<2000x128xf32>
    %mul3A_680 = arith.mulf %mul3A_679, %mul3A_678 : vector<2000x128xf32>
    %add3A_681 = arith.addf %add3A_642, %mul3A_680 : vector<2000x128xf32>
    %swap3A = arith.constant 0 : index
    %swap3A_682 = arith.constant 0 : index
    %swap3A_683 = vector.load %arg14[%swap3A, %swap3A_682] : memref<2000x128xf32, #tpu.memory_space<vmem>>, vector<2000x128xf32>
    tpu.vector_store %arg14[%swap3A, %swap3A_682], %add3A_681 {strides = array<i32>} : memref<2000x128xf32, #tpu.memory_space<vmem>>, vector<2000x128xf32>,
    return
  }
  func.func @transform_0(%arg0: i32) -> (i32, i32) {
    %c0_i32 = arith.constant 0 : i32
    %c0_i32_0 = arith.constant 0 : i32
    return %arg0, %c0_i32 : i32, i32
  }
  func.func @transform_1(%arg0: i32) -> (i32, i32) {
    %c0_i32 = arith.constant 0 : i32
    %c0_i32_0 = arith.constant 0 : i32
    return %arg0, %c0_i32 : i32, i32
  }
  func.func @transform_2(%arg0: i32) -> (i32, i32) {
    %c0_i32 = arith.constant 0 : i32
    %c0_i32_0 = arith.constant 0 : i32
    return %arg0, %c0_i32 : i32, i32
  }
  func.func @transform_3(%arg0: i32) -> (i32, i32) {
    %c0_i32 = arith.constant 0 : i32
    %c0_i32_0 = arith.constant 0 : i32
    return %arg0, %c0_i32 : i32, i32
  }
  func.func @transform_4(%arg0: i32) -> (i32, i32) {
    %c0_i32 = arith.constant 0 : i32
    %c0_i32_0 = arith.constant 0 : i32
    %c0_i32_1 = arith.constant 0 : i32
    return %c0_i32, %c0_i32_0 : i32, i32
  }
  func.func @transform_5(%arg0: i32) -> (i32, i32) {
    %c0_i32 = arith.constant 0 : i32
    %c0_i32_0 = arith.constant 0 : i32
    %c0_i32_1 = arith.constant 0 : i32
    return %c0_i32, %c0_i32_0 : i32, i32
  }
  func.func @transform_6(%arg0: i32) -> (i32, i32) {
    %c0_i32 = arith.constant 0 : i32
    %c0_i32_0 = arith.constant 0 : i32
    %c0_i32_1 = arith.constant 0 : i32
    return %c0_i32, %c0_i32_0 : i32, i32
  }
  func.func @transform_7(%arg0: i32) -> (i32, i32) {
    %c0_i32 = arith.constant 0 : i32
    %c0_i32_0 = arith.constant 0 : i32
    %c0_i32_1 = arith.constant 0 : i32
    return %c0_i32, %c0_i32_0 : i32, i32
  }
  func.func @transform_8(%arg0: i32) -> (i32, i32) {
    %c0_i32 = arith.constant 0 : i32
    %c0_i32_0 = arith.constant 0 : i32
    %c0_i32_1 = arith.constant 0 : i32
    return %c0_i32, %c0_i32_0 : i32, i32
  }
  func.func @transform_9(%arg0: i32) -> (i32, i32) {
    %c0_i32 = arith.constant 0 : i32
    %c0_i32_0 = arith.constant 0 : i32
    %c0_i32_1 = arith.constant 0 : i32
    return %c0_i32, %c0_i32_0 : i32, i32
  }
  func.func @transform_10(%arg0: i32) -> (i32, i32) {
    %c0_i32 = arith.constant 0 : i32
    %c0_i32_0 = arith.constant 0 : i32
    %c0_i32_1 = arith.constant 0 : i32
    return %c0_i32, %c0_i32_0 : i32, i32
  }
  func.func @transform_11(%arg0: i32) -> (i32, i32) {
    %c0_i32 = arith.constant 0 : i32
    %c0_i32_0 = arith.constant 0 : i32
    %c0_i32_1 = arith.constant 0 : i32
    return %c0_i32, %c0_i32_0 : i32, i32
  }
  func.func @transform_12(%arg0: i32) -> (i32, i32) {
    %c0_i32 = arith.constant 0 : i32
    %c0_i32_0 = arith.constant 0 : i32
    %c0_i32_1 = arith.constant 0 : i32
    return %c0_i32, %c0_i32_0 : i32, i32
  }
  func.func @transform_13(%arg0: i32) -> (i32, i32) {
    %c0_i32 = arith.constant 0 : i32
    %c0_i32_0 = arith.constant 0 : i32
    return %arg0, %c0_i32 : i32, i32
  }
}

</mosaic_0001>

<sc_bundles>
// kernel: kernel.6.cloned.1.call-start
scs
__scs_entry_jumppad:
0x0: {  	(pc) =	sbr.rel $0x88, $3  }
0x1: {  	(tag) =	ssettag $0x0;
	lr =	simm.s32 $0x1  }
0x2: {  	[smem:$0x3F95] =	sst lr;
	_ =	strace $0xD0000000  }
0x3: {  	_ = 	snop  }
0x4: {  	_ = 	snop  }
0x5: {  	_ = 	snop  }
0x6: {  	_ = 	snop  }
0x7: {  	_ = 	snop  }
__scs_overlays_trampoline_lowered:
0x8: {  	[smem:$0x3FA4] =	sst s0  }
0x9: {  	[smem:$0x3FA5] =	sst s1  }
0xa: {  	[smem:$0x3FA6] =	sst s2  }
0xb: {  	[smem:$0x3FA7] =	sst s3  }
0xc: {  	[smem:$0x3FA8] =	sst s4  }
0xd: {  	[smem:$0x3FA9] =	sst s5  }
0xe: {  	[smem:$0x3FAA] =	sst s6  }
0xf: {  	[smem:$0x3FAB] =	sst s7  }
0x10: {  	[smem:$0x3FAC] =	sst s8  }
0x11: {  	[smem:$0x3FAD] =	sst s9;
	s0 =	simm.s32 @!p0 $0x0  }
0x12: {  	s1 =	sld [smem:$0x3F93];
	s0 =	simm.s32 @p0 $0x1  }
0x13: {  	[smem:$0x3FAE] =	sst s0;
	s0 =	simm.s32 @!p1 $0x0  }
0x14: {  	s2 =	sld [smem:$0x3F92];
	s0 =	simm.s32 @p1 $0x1  }
0x15: {  	[smem:$0x3FAF] =	sst s0;
	s0 =	simm.s32 @!p2 $0x0  }
0x16: {  	s3 =	sld [smem:$0x3FDB];
	s0 =	simm.s32 @p2 $0x1  }
0x17: {  	s4 =	simm.s32 $0x1BF5;
	[smem:$0x3FB1] =	sst s0  }
0x18: {  	s0 =	sld [smem:$0x3F94];
	_ =	swait.ge [sflag:s4], $0x0  }
0x19: {  	s7 =	sld [smem:$0x3F95]  }
0x1a: {  	s8 =	sadd.s32 $0xFFFFE003, lr  }
0x1b: {  	s9 =	sadd.s32 $0xFFFFFEF7, lr;
	s5 =	simm.s32 $0xFFFFFFFF;
	p2 =	slt.u32 s8, $0xFFFFF086  }
0x1c: {  	p1 =	slt.u32 s9, $0xF7A;
	s5 =	simm.s32 @!p2 $0x0  }
0x1d: {  	s5 =	simm.s32 @p1 $0x1;
	p0 =	seq.s32 s7, s2  }
0x1e: {  	s7 =	smul.u32 @!p0 $0xF7A, s2;
	p2 =	seq.s32 @!p0 s5, $0x0  }
0x1f: {  	s9 =	smul.u32 $0xF7A, s1;
	s8 =	simm.s32 @!p0 $0x1BF5;
	p2 =	por !p2, p0  }
0x20: {  	[sflag:s8] =	ssyncset.s32 @!p0 $0xFFFFF086;
	s6 =	sadd.s32 @!p0 s3, s7;
	s7 =	simm.s32 @!p0 $0x108  }
0x21: {  	s3 =	sadd.s32 s3, s9;
	s6 =	sadd.s32 @!p0 $0x88, s6;
	s7 =	simm.s32 @p2 $0x1082  }
0x22: {  	[simem:s7], [sflag:s8] =	dma.local @!p0 [hbm:s6], $0xF7A  }
0x23: {  	s9 =	sor.u32 $0xD0000000, s2;
	s6 =	simm.s32 $0x108;
	_ =	swait.ge @!p0 [sflag:s8], $0x0  }
0x24: {  	s3 =	sadd.s32 $0x88, s3;
	s6 =	simm.s32 @!p1 $0x1082;
	[sflag:s4] =	ssyncset.s32 $0xFFFFF086  }
0x25: {  	[simem:s6], [sflag:s4] =	dma.local [hbm:s3], $0xF7A  }
0x26: {  	[smem:$0x3F95] =	sst s1;
	(tag) =	ssettag s2;
	_ =	strace s9  }
0x27: {  	s1 =	sld [smem:$0x3FA5]  }
0x28: {  	s2 =	sld [smem:$0x3FA6]  }
0x29: {  	s4 =	sld [smem:$0x3FA8]  }
0x2a: {  	p0 =	seq.s32 s5, $0x0;
	s5 =	sld [smem:$0x3FA9]  }
0x2b: {  	s6 =	sld [smem:$0x3FAA]  }
0x2c: {  	s7 =	sld [smem:$0x3FAB]  }
0x2d: {  	s3 =	simm.s32 $0x108;
	s8 =	sld [smem:$0x3FAC]  }
0x2e: {  	s3 =	simm.s32 @!p0 $0x1082;
	s9 =	sld [smem:$0x3FAD]  }
0x2f: {  	lr =	sadd.s32 s0, s3;
	s0 =	sld [smem:$0x3FA4]  }
0x30: {  	s3 =	sld [smem:$0x3FA7]  }
0x31: {  	[smem:$0x3FB0] =	sst s10  }
0x32: {  	s10 =	sld [smem:$0x3FAE];
	_ =	sdelay $0x3  }
0x33: {  	p0 =	seq.s32 s10, $0x1;
	s10 =	sld [smem:$0x3FB0];
	_ =	sdelay $0x3  }
0x34: {  	[smem:$0x3FB0] =	sst s10  }
0x35: {  	s10 =	sld [smem:$0x3FAF];
	_ =	sdelay $0x3  }
0x36: {  	p1 =	seq.s32 s10, $0x1;
	s10 =	sld [smem:$0x3FB0];
	_ =	sdelay $0x3  }
0x37: {  	[smem:$0x3FB0] =	sst s10  }
0x38: {  	s10 =	sld [smem:$0x3FB1]  }
0x39: {  	_ = 	snop;
	(pc) =	sbr.ind lr, $3  }
0x3a: {  	_ = 	snop  }
0x3b: {  	_ = 	snop  }
0x3c: {  	p2 =	seq.s32 s10, $0x1;
	s10 =	sld [smem:$0x3FB0]  }
0x3d: {  	_ =	shalt  }
0x3e: {  	_ =	shalt  }
0x3f: {  	_ =	shalt  }
0x40: {  	_ =	shalt  }
0x41: {  	_ =	shalt  }
0x42: {  	_ =	shalt  }
0x43: {  	_ =	shalt  }
0x44: {  	_ =	shalt  }
0x45: {  	_ =	shalt  }
0x46: {  	_ =	shalt  }
0x47: {  	_ =	shalt  }
0x48: {  	_ =	shalt  }
0x49: {  	_ =	shalt  }
0x4a: {  	_ =	shalt  }
0x4b: {  	_ =	shalt  }
0x4c: {  	_ =	shalt  }
0x4d: {  	_ =	shalt  }
0x4e: {  	_ =	shalt  }
0x4f: {  	_ =	shalt  }
0x50: {  	_ =	shalt  }
0x51: {  	_ =	shalt  }
0x52: {  	_ =	shalt  }
0x53: {  	_ =	shalt  }
0x54: {  	_ =	shalt  }
0x55: {  	_ =	shalt  }
0x56: {  	_ =	shalt  }
0x57: {  	_ =	shalt  }
0x58: {  	_ =	shalt  }
0x59: {  	_ =	shalt  }
0x5a: {  	_ =	shalt  }
0x5b: {  	_ =	shalt  }
0x5c: {  	_ =	shalt  }
0x5d: {  	_ =	shalt  }
0x5e: {  	_ =	shalt  }
0x5f: {  	_ =	shalt  }
0x60: {  	_ =	shalt  }
0x61: {  	_ =	shalt  }
0x62: {  	_ =	shalt  }
0x63: {  	_ =	shalt  }
0x64: {  	_ =	shalt  }
0x65: {  	_ =	shalt  }
0x66: {  	_ =	shalt  }
0x67: {  	_ =	shalt  }
0x68: {  	_ =	shalt  }
0x69: {  	_ =	shalt  }
0x6a: {  	_ =	shalt  }
0x6b: {  	_ =	shalt  }
0x6c: {  	_ =	shalt  }
0x6d: {  	_ =	shalt  }
0x6e: {  	_ =	shalt  }
0x6f: {  	_ =	shalt  }
0x70: {  	_ =	shalt  }
0x71: {  	_ =	shalt  }
0x72: {  	_ =	shalt  }
0x73: {  	_ =	shalt  }
0x74: {  	_ =	shalt  }
0x75: {  	_ =	shalt  }
0x76: {  	_ =	shalt  }
0x77: {  	_ =	shalt  }
0x78: {  	_ =	shalt  }
0x79: {  	_ =	shalt  }
0x7a: {  	_ =	shalt  }
0x7b: {  	_ =	shalt  }
0x7c: {  	_ =	shalt  }
0x7d: {  	_ =	shalt  }
0x7e: {  	_ =	shalt  }
0x7f: {  	_ =	shalt  }
0x80: {  	_ =	shalt  }
0x81: {  	_ =	shalt  }
0x82: {  	_ =	shalt  }
0x83: {  	_ =	shalt  }
0x84: {  	_ =	shalt  }
0x85: {  	_ =	shalt  }
0x86: {  	_ =	shalt  }
0x87: {  	_ =	shalt  }
.Lfunc_end0:
.L_simem_size_0:
called_computation_lowered:
.L_overlay_start_0:
0x88: {  	s2 =	sld [smem:$0x3FD9]  }
0x89: {  	s3 =	sld [smem:$0x3FFE];
	_ =	sdelay $0x1  }
0x8a: {  	s1 =	srdreg.scid  }
0x8b: {  	s0 =	sand.u32 $0x1, s1  }
0x8c: {  	s17 =	sshll.u32 s0, $0xA;
	s2 =	sadd.s32 s3, s2  }
0x8d: {  	s2 =	sadd.s32 s2, s17  }
0x8e: {  	[smem:$0x3FBC] =	sst s2  }
0x8f: {  	_ = 	snop  }
0x90: {  	s2 =	sld [smem:$0x3FD0];
	(tm) =	ssettm $0x1  }
0x91: {  	s18 =	sld [smem:$0x3FFB];
	_ =	sdelay $0x3  }
0x92: {  	_ =	strace s18  }
0x93: {  	s3 =	sld [smem:$0x3FFC];
	_ =	sdelay $0x3  }
0x94: {  	_ =	strace s3  }
0x95: {  	s3 =	sld [smem:$0x3FFD];
	_ =	sdelay $0x3  }
0x96: {  	_ =	strace s3  }
0x97: {  	_ =	strace $0x8FFFFFFF  }
0x98: {  	s19 =	sld [smem:$0x3FDB];
	_ =	sdelay $0x1  }
0x99: {  	s4 =	simm.s32 $_scs_section_size  }
0x9a: {  	s5 =	simm.s32 $_size__tile_overlayer_lowered;
	s6 =	simm.s32 $_tile_overlayer_lowered  }
0x9b: {  	s22 =	simm.s32 $0x1BFF;
	s21 =	sshll.u32 s6, $0x1;
	s3 =	sadd.s32 s4, s19  }
0x9c: {  	s7 =	simm.s32 $0x0;
	s20 =	sshll.u32 s5, $0x1;
	s5 =	sadd.s32 s21, s3  }
0x9d: {  	[timem:s7], [sflag:s22] =	dma.local [hbm:s5], s20  }
0x9e: {  	_ =	swait.ge [sflag:s22], s20  }
0x9f: {  	s4 =	ssub.s32 $0x0, s20;
	[sflag:s22] =	ssyncset.done $0x0  }
0xa0: {  	[sflag:s22] =	ssyncadd.s32 s4;
	_ =	sdelay $0x1  }
0xa1: {  	s23 =	simm.s32 $0x1B8B  }
0xa2: {  	_ =	swait.ge [sflag:s23], $0x1  }
0xa3: {  	[sflag:s23] =	ssyncset.done $0x0  }
0xa4: {  	s25 =	simm.s32 $0x1B8E;
	s24 =	sld [smem:$0x3FFE];
	[sflag:s23] =	ssyncadd.s32 $0xFFFFFFFF  }
0xa5: {  	s26 =	simm.s32 $execute0_lowered;
	[smem:$0x3FD2] =	sst s25  }
0xa6: {  	s5 =	sshll.u32 s26, $0x1;
	_ =	strace $0x80000046;
	[dreg:$0x1] =	wrdreg $0xFFFFFFFF  }
0xa7: {  	s28 =	simm.s32 $_size_execute0_lowered;
	s3 =	sadd.s32 s3, s5;
	[dreg:$0x0] =	wrdreg $0x0  }
0xa8: {  	s5 =	sshll.u32 s28, $0x1;
	[dreg:$0x2] =	wrdreg s3  }
0xa9: {  	[dreg:$0x3] =	wrdreg s5  }
0xaa: {  	[dreg:$0x4] =	wrdreg $0xC0  }
0xab: {  	_ =	task [dreg:s7], $0x5FFFF  }
0xac: {  	[dreg:$0x1] =	wrdreg $0xFFFFFFFF  }
0xad: {  	[dreg:$0x0] =	wrdreg $0x60  }
0xae: {  	[dreg:$0x2] =	wrdreg s2  }
0xaf: {  	[dreg:$0x3] =	wrdreg s24  }
0xb0: {  	[dreg:$0x4] =	wrdreg $0x82800  }
0xb1: {  	[dreg:$0x5] =	wrdreg $0x9  }
0xb2: {  	_ =	task.clear_ibuf [dreg:s7], $0x6FFFF;
	_ =	strace $0x90000046  }
0xb3: {  	s29 =	simm.s32 $0x9;
	_ =	strace $0x80000048  }
0xb4: {  	_ =	swait.ge [sflag:s29], $0x1  }
0xb5: {  	[sflag:s29] =	ssyncadd.s32 $0xFFFFFFFF  }
0xb6: {  	_ =	strace $0x90000048  }
0xb7: {  	_ =	sfence  }
0xb8: {  	s30 =	sld [smem:$0x0];
	_ =	sdelay $0x2  }
0xb9: {  	s31 =	sshll.u32 s1, $0xD;
	s1 =	sshrl.u32 s1, $0x2  }
0xba: {  	s3 =	sand.u32 $0x4000, s31;
	s1 =	sadd.s32 s1, s30  }
0xbb: {  	s0 =	sor.u32 s3, s0;
	s1 =	sshll.u32 s1, $0x11  }
0xbc: {  	s0 =	sor.u32 s1, s0  }
0xbd: {  	s0 =	sadd.s32 $0x8F2B, s0  }
0xbe: {  	[sflag:s0] =	ssyncadd.remote.s32 $0x1  }
0xbf: {  	_ =	sfence.sel $0xFFFF  }
0xc0: {  	[dreg:$0x0] =	wrdreg $0xFFFFFFFF;
	(pc) =	sbr.abs _section_cstart, $3  }
0xc1: {  	[dreg:$0x1] =	wrdreg $0xFFFFFFFF  }
0xc2: {  	_ =	task.clear_ibuf [dreg:s7], $0x2FFFF;
	_ =	strace $0x9FFFFFFF  }
0xc3: {  	(tm) =	ssettm $0x7FFFFFFF  }
tec
execute0_lowered:
.L_overlay_start_1:
0x0: {  	(tag) =	ssettag $0x1  }
0x1: {  	s5 =	rddreg [dreg:$0x0]  }
0x2: {  	s4 =	rddreg [dreg:$0x1]  }
0x3: {  	s1 =	rddreg [dreg:$0x2]  }
0x4: {  	s0 =	rddreg [dreg:$0x3];
	s3 =	simm.s32 $0x0;
	s6 =	srdreg.scid  }
0x5: {  	s2 =	stileid.u32;
	s12 =	simm.s32 $0x50;
	s13 =	simm.s32 $0x80  }
0x6: {  	s14 =	simm.s32 $0x100;
	s15 =	simm.s32 $0x0;
	[smem:$0x7FF] =	sst s3  }
0x7: {  	s6 =	sand.u32 $0x1, s6;
	s7 =	sshll.u32 s2, $0xC;
	s9 =	smul.u32 $0x500, s2  }
0x8: {  	s30 =	smul.u32 $0xA00, s2;
	s8 =	sshll.u32 s6, $0xB;
	_ =	strace $0x80000047  }
0x9: {  	s29 =	sshll.u32 s6, $0x7;
	s6 =	ssub.s32 $0x2, s6;
	s7 =	sor.u32 s8, s7  }
0xa: {  	s8 =	sor.u32 s29, s9;
	s11 =	sshrl.u32 s6, $0x1;
	s31 =	sshrl.u32 s30, $0x2  }
0xb: {  	s9 =	simm.s32 $0x8000;
	s10 =	sadd.s32 s7, s4;
	s8 =	sshrl.u32 s8, $0x3  }
0xc: {  	s11 =	ssub.s32 s6, s11;
	s5 =	sadd.s32 s5, s7;
	s8 =	sadd.s32 s8, s4  }
0xd: {  	s4 =	sadd.s32 s31, s1;
	s6 =	sadd.s32 $0x1E00, s10;
	s10 =	simm.s32 $0x1  }
0xe: {  	v0 =	vimm.f32 $0.0e+00;
	s7 =	sadd.s32 $0x25A00, s8;
	s8 =	smax.u32 s11, $0x1;
	s11 =	simm.s32 $0x4000  }
.LBB2_1:
0xf: {  	[tilespmem:$0x8000] =	vst v0  }
0x10: {  	[tilespmem:$0x8010] =	vst v0  }
0x11: {  	[tilespmem:$0x8020] =	vst v0  }
0x12: {  	[tilespmem:$0x8030] =	vst v0  }
0x13: {  	[tilespmem:$0x8040] =	vst v0  }
0x14: {  	[tilespmem:$0x8050] =	vst v0  }
0x15: {  	[tilespmem:$0x8060] =	vst v0  }
0x16: {  	[tilespmem:$0x8070] =	vst v0  }
0x17: {  	[tilespmem:$0x8080] =	vst v0  }
0x18: {  	[tilespmem:$0x8090] =	vst v0  }
0x19: {  	[tilespmem:$0x80A0] =	vst v0  }
0x1a: {  	[tilespmem:$0x80B0] =	vst v0  }
0x1b: {  	[tilespmem:$0x80C0] =	vst v0  }
0x1c: {  	[tilespmem:$0x80D0] =	vst v0  }
0x1d: {  	[tilespmem:$0x80E0] =	vst v0  }
0x1e: {  	[tilespmem:$0x80F0] =	vst v0  }
0x1f: {  	[tilespmem:$0x8100] =	vst v0  }
0x20: {  	[tilespmem:$0x8110] =	vst v0  }
0x21: {  	[tilespmem:$0x8120] =	vst v0  }
0x22: {  	[tilespmem:$0x8130] =	vst v0  }
0x23: {  	[tilespmem:$0x8140] =	vst v0  }
0x24: {  	[tilespmem:$0x8150] =	vst v0  }
0x25: {  	[tilespmem:$0x8160] =	vst v0  }
0x26: {  	[tilespmem:$0x8170] =	vst v0  }
0x27: {  	[tilespmem:$0x8180] =	vst v0  }
0x28: {  	[tilespmem:$0x8190] =	vst v0  }
0x29: {  	[tilespmem:$0x81A0] =	vst v0  }
0x2a: {  	[tilespmem:$0x81B0] =	vst v0  }
0x2b: {  	[tilespmem:$0x81C0] =	vst v0  }
0x2c: {  	[tilespmem:$0x81D0] =	vst v0  }
0x2d: {  	[tilespmem:$0x81E0] =	vst v0  }
0x2e: {  	[tilespmem:$0x81F0] =	vst v0  }
0x2f: {  	[tilespmem:$0x8200] =	vst v0  }
0x30: {  	[tilespmem:$0x8210] =	vst v0  }
0x31: {  	[tilespmem:$0x8220] =	vst v0  }
0x32: {  	[tilespmem:$0x8230] =	vst v0  }
0x33: {  	[tilespmem:$0x8240] =	vst v0  }
0x34: {  	[tilespmem:$0x8250] =	vst v0  }
0x35: {  	[tilespmem:$0x8260] =	vst v0  }
0x36: {  	[tilespmem:$0x8270] =	vst v0  }
0x37: {  	[spmem:s4] =	stream.linear.scatter [tilespmem:s9], [sflag:$0x1], $0x280, $0x38;
	[tilespmem:$0x8500] =	vst v63  }
0x38: {  	_ =	swait.ge [sflag:s10], $0x280  }
0x39: {  	[sflag:s10] =	ssyncset.done $0x0  }
0x3a: {  	[sflag:s10] =	ssyncadd.s32 $0xFFFFFD80  }
0x3b: {  	[bflag:$0x0] =	sbarrier.arrive $0xFFFF  }
0x3c: {  	[tilespmem:s3], [sflag:$0x1] =	stream.linear.gather [hbm4b:s5+s3], $0x3E80, $0x38;
	[tilespmem:$0x8500] =	vst v63  }
0x3d: {  	_ =	swait.ge [sflag:s10], $0x3E80  }
0x3e: {  	[sflag:s10] =	ssyncset.done $0x0  }
0x3f: {  	[sflag:s10] =	ssyncadd.s32 $0xFFFFC180  }
0x40: {  	[tilespmem:s11], [sflag:$0x1] =	stream.linear.gather [hbm4b:s6+s3], $0x3E80, $0x38;
	[tilespmem:$0x8500] =	vst v63  }
0x41: {  	_ =	swait.ge [sflag:s10], $0x3E80  }
0x42: {  	[sflag:s10] =	ssyncset.done $0x0  }
0x43: {  	s16 =	simm.s32 $0x0;
	s17 =	simm.s32 $0x4000;
	[sflag:s10] =	ssyncadd.s32 $0xFFFFC180  }
0x44: {  	[spmem:s1] =	stream.indirect.scatter.add.f32 [tilespmem:s17], [sflag:$0x1], $0x1, s16, s12, $0xb8;
	[tilespmem:$0x8500] =	vst v63  }
0x45: {  	s16 =	simm.s32 $0x200;
	_ =	swait.ge [sflag:s10], $0x50  }
.LBB2_2:
0x46: {  	s17 =	sshra.s32 s16, $0x2;
	[sflag:s10] =	ssyncset.done $0x0;
	p0 =	sne.s32 s16, $0xF800  }
.Ltmp0:
0x47: {  	s18 =	sadd.s32 $0x4000, s17;
	[sflag:s10] =	ssyncadd.s32 $0xFFFFFFB0;
	(pc) =	sbr.rel @p0 .LBB2_2-.Ltmp0, $3  }
0x48: {  	[spmem:s1] =	stream.indirect.scatter.add.f32 [tilespmem:s18], [sflag:$0x1], $0x1, s17, s12, $0xb8;
	[tilespmem:$0x8500] =	vst v63  }
0x49: {  	s16 =	sadd.s32 $0x200, s16;
	_ =	sdelay $0x1  }
0x4a: {  	_ =	swait.ge [sflag:s10], $0x50  }
0x4b: {  	[sflag:s10] =	ssyncset.done $0x0  }
0x4c: {  	[sflag:s10] =	ssyncadd.s32 $0xFFFFFFB0  }
0x4d: {  	[bflag:$0x0] =	sbarrier.arrive $0xFFFF  }
0x4e: {  	[tilespmem:s9], [sflag:$0x1] =	stream.linear.gather [spmem:s4], $0x280, $0x38;
	[tilespmem:$0x8500] =	vst v63  }
0x4f: {  	s15 =	sadd.s32 $0x1, s15;
	_ =	swait.ge [sflag:s10], $0x280  }
0x50: {  	p0 =	sne.s32 s15, s8;
	[sflag:s10] =	ssyncset.done $0x0  }
.Ltmp1:
0x51: {  	[sflag:s10] =	ssyncadd.s32 $0xFFFFFD80;
	(pc) =	sbr.rel @p0 .LBB2_1-.Ltmp1, $4  }
0x52: {  	[hbm4b:s7+s13] =	stream.strided.scatter [tilespmem:s9], [sflag:$0x1], $0x280, s14, s13, $0x38;
	[tilespmem:$0x8500] =	vst v63  }
0x53: {  	_ =	swait.ge [sflag:s10], $0x280  }
0x54: {  	[sflag:s10] =	ssyncset.done $0x0  }
0x55: {  	[sflag:s10] =	ssyncadd.s32 $0xFFFFFD80  }
0x56: {  	_ =	sfence.sel $0x180000  }
0x57: {  	[bflag:$0x0] =	sbarrier.arrive $0xFFFF  }
0x58: {  	p0 =	sne.s32 s2, $0x0;
	_ =	strace $0x90000047  }
0x59: {  	s0 =	sadd.s32 @!p0 $0x100000, s0;
	[bflag:$0x2] =	sbarrier.arrive $0xFFFF  }
0x5a: {  	[sflag:s0] =	ssyncadd.tile.s32 @!p0 $0x1;
	_ =	shalt  }
.Lfunc_end2:
_tile_overlayer_lowered:
.L_overlay_start_2:
0x5b: {  	(tag) =	ssettag $0x2  }
0x5c: {  	s0 =	rddreg [dreg:$0x0];
	s2 =	stileid.u32  }
0x5d: {  	s1 =	rddreg [dreg:$0x1];
	p0 =	sne.s32 s2, $0x0  }
0x5e: {  	s3 =	rddreg [dreg:$0x2];
	[bflag:$0x3] =	sbarrier.arrive $0xFFFF;
	s2 =	simm.s32 @!p0 $0x1C01  }
0x5f: {  	[timem:s3], [sflag:s2] =	dma.local @!p0 [hbm:s0], s1  }
0x60: {  	s0 =	simm.s32 @!p0 $0x1  }
0x61: {  	_ =	swait.ge @!p0 [sflag:s0], s1  }
0x62: {  	s1 =	ssub.s32 @!p0 $0x0, s1;
	[sflag:s0] =	ssyncset.done @!p0 $0x0  }
0x63: {  	[sflag:s0] =	ssyncadd.s32 @!p0 s1  }
0x64: {  	[bflag:$0x3] =	sbarrier.arrive $0xFFFF  }
0x65: {  	_ =	shalt  }

// kernel: kernel.9.cloned.1.call-start
scs
__scs_entry_jumppad:
0x0: {  	(pc) =	sbr.rel $0x88, $3  }
0x1: {  	(tag) =	ssettag $0x0;
	lr =	simm.s32 $0x1  }
0x2: {  	[smem:$0x3F95] =	sst lr;
	_ =	strace $0xD0000000  }
0x3: {  	_ = 	snop  }
0x4: {  	_ = 	snop  }
0x5: {  	_ = 	snop  }
0x6: {  	_ = 	snop  }
0x7: {  	_ = 	snop  }
__scs_overlays_trampoline_lowered:
0x8: {  	[smem:$0x3FA4] =	sst s0  }
0x9: {  	[smem:$0x3FA5] =	sst s1  }
0xa: {  	[smem:$0x3FA6] =	sst s2  }
0xb: {  	[smem:$0x3FA7] =	sst s3  }
0xc: {  	[smem:$0x3FA8] =	sst s4  }
0xd: {  	[smem:$0x3FA9] =	sst s5  }
0xe: {  	[smem:$0x3FAA] =	sst s6  }
0xf: {  	[smem:$0x3FAB] =	sst s7  }
0x10: {  	[smem:$0x3FAC] =	sst s8  }
0x11: {  	[smem:$0x3FAD] =	sst s9;
	s0 =	simm.s32 @!p0 $0x0  }
0x12: {  	s1 =	sld [smem:$0x3F93];
	s0 =	simm.s32 @p0 $0x1  }
0x13: {  	[smem:$0x3FAE] =	sst s0;
	s0 =	simm.s32 @!p1 $0x0  }
0x14: {  	s2 =	sld [smem:$0x3F92];
	s0 =	simm.s32 @p1 $0x1  }
0x15: {  	[smem:$0x3FAF] =	sst s0;
	s0 =	simm.s32 @!p2 $0x0  }
0x16: {  	s3 =	sld [smem:$0x3FDB];
	s0 =	simm.s32 @p2 $0x1  }
0x17: {  	s4 =	simm.s32 $0x1BF5;
	[smem:$0x3FB1] =	sst s0  }
0x18: {  	s0 =	sld [smem:$0x3F94];
	_ =	swait.ge [sflag:s4], $0x0  }
0x19: {  	s7 =	sld [smem:$0x3F95]  }
0x1a: {  	s8 =	sadd.s32 $0xFFFFE003, lr  }
0x1b: {  	s9 =	sadd.s32 $0xFFFFFEF7, lr;
	s5 =	simm.s32 $0xFFFFFFFF;
	p2 =	slt.u32 s8, $0xFFFFF086  }
0x1c: {  	p1 =	slt.u32 s9, $0xF7A;
	s5 =	simm.s32 @!p2 $0x0  }
0x1d: {  	s5 =	simm.s32 @p1 $0x1;
	p0 =	seq.s32 s7, s2  }
0x1e: {  	s7 =	smul.u32 @!p0 $0xF7A, s2;
	p2 =	seq.s32 @!p0 s5, $0x0  }
0x1f: {  	s9 =	smul.u32 $0xF7A, s1;
	s8 =	simm.s32 @!p0 $0x1BF5;
	p2 =	por !p2, p0  }
0x20: {  	[sflag:s8] =	ssyncset.s32 @!p0 $0xFFFFF086;
	s6 =	sadd.s32 @!p0 s3, s7;
	s7 =	simm.s32 @!p0 $0x108  }
0x21: {  	s3 =	sadd.s32 s3, s9;
	s6 =	sadd.s32 @!p0 $0x88, s6;
	s7 =	simm.s32 @p2 $0x1082  }
0x22: {  	[simem:s7], [sflag:s8] =	dma.local @!p0 [hbm:s6], $0xF7A  }
0x23: {  	s9 =	sor.u32 $0xD0000000, s2;
	s6 =	simm.s32 $0x108;
	_ =	swait.ge @!p0 [sflag:s8], $0x0  }
0x24: {  	s3 =	sadd.s32 $0x88, s3;
	s6 =	simm.s32 @!p1 $0x1082;
	[sflag:s4] =	ssyncset.s32 $0xFFFFF086  }
0x25: {  	[simem:s6], [sflag:s4] =	dma.local [hbm:s3], $0xF7A  }
0x26: {  	[smem:$0x3F95] =	sst s1;
	(tag) =	ssettag s2;
	_ =	strace s9  }
0x27: {  	s1 =	sld [smem:$0x3FA5]  }
0x28: {  	s2 =	sld [smem:$0x3FA6]  }
0x29: {  	s4 =	sld [smem:$0x3FA8]  }
0x2a: {  	p0 =	seq.s32 s5, $0x0;
	s5 =	sld [smem:$0x3FA9]  }
0x2b: {  	s6 =	sld [smem:$0x3FAA]  }
0x2c: {  	s7 =	sld [smem:$0x3FAB]  }
0x2d: {  	s3 =	simm.s32 $0x108;
	s8 =	sld [smem:$0x3FAC]  }
0x2e: {  	s3 =	simm.s32 @!p0 $0x1082;
	s9 =	sld [smem:$0x3FAD]  }
0x2f: {  	lr =	sadd.s32 s0, s3;
	s0 =	sld [smem:$0x3FA4]  }
0x30: {  	s3 =	sld [smem:$0x3FA7]  }
0x31: {  	[smem:$0x3FB0] =	sst s10  }
0x32: {  	s10 =	sld [smem:$0x3FAE];
	_ =	sdelay $0x3  }
0x33: {  	p0 =	seq.s32 s10, $0x1;
	s10 =	sld [smem:$0x3FB0];
	_ =	sdelay $0x3  }
0x34: {  	[smem:$0x3FB0] =	sst s10  }
0x35: {  	s10 =	sld [smem:$0x3FAF];
	_ =	sdelay $0x3  }
0x36: {  	p1 =	seq.s32 s10, $0x1;
	s10 =	sld [smem:$0x3FB0];
	_ =	sdelay $0x3  }
0x37: {  	[smem:$0x3FB0] =	sst s10  }
0x38: {  	s10 =	sld [smem:$0x3FB1]  }
0x39: {  	_ = 	snop;
	(pc) =	sbr.ind lr, $3  }
0x3a: {  	_ = 	snop  }
0x3b: {  	_ = 	snop  }
0x3c: {  	p2 =	seq.s32 s10, $0x1;
	s10 =	sld [smem:$0x3FB0]  }
0x3d: {  	_ =	shalt  }
0x3e: {  	_ =	shalt  }
0x3f: {  	_ =	shalt  }
0x40: {  	_ =	shalt  }
0x41: {  	_ =	shalt  }
0x42: {  	_ =	shalt  }
0x43: {  	_ =	shalt  }
0x44: {  	_ =	shalt  }
0x45: {  	_ =	shalt  }
0x46: {  	_ =	shalt  }
0x47: {  	_ =	shalt  }
0x48: {  	_ =	shalt  }
0x49: {  	_ =	shalt  }
0x4a: {  	_ =	shalt  }
0x4b: {  	_ =	shalt  }
0x4c: {  	_ =	shalt  }
0x4d: {  	_ =	shalt  }
0x4e: {  	_ =	shalt  }
0x4f: {  	_ =	shalt  }
0x50: {  	_ =	shalt  }
0x51: {  	_ =	shalt  }
0x52: {  	_ =	shalt  }
0x53: {  	_ =	shalt  }
0x54: {  	_ =	shalt  }
0x55: {  	_ =	shalt  }
0x56: {  	_ =	shalt  }
0x57: {  	_ =	shalt  }
0x58: {  	_ =	shalt  }
0x59: {  	_ =	shalt  }
0x5a: {  	_ =	shalt  }
0x5b: {  	_ =	shalt  }
0x5c: {  	_ =	shalt  }
0x5d: {  	_ =	shalt  }
0x5e: {  	_ =	shalt  }
0x5f: {  	_ =	shalt  }
0x60: {  	_ =	shalt  }
0x61: {  	_ =	shalt  }
0x62: {  	_ =	shalt  }
0x63: {  	_ =	shalt  }
0x64: {  	_ =	shalt  }
0x65: {  	_ =	shalt  }
0x66: {  	_ =	shalt  }
0x67: {  	_ =	shalt  }
0x68: {  	_ =	shalt  }
0x69: {  	_ =	shalt  }
0x6a: {  	_ =	shalt  }
0x6b: {  	_ =	shalt  }
0x6c: {  	_ =	shalt  }
0x6d: {  	_ =	shalt  }
0x6e: {  	_ =	shalt  }
0x6f: {  	_ =	shalt  }
0x70: {  	_ =	shalt  }
0x71: {  	_ =	shalt  }
0x72: {  	_ =	shalt  }
0x73: {  	_ =	shalt  }
0x74: {  	_ =	shalt  }
0x75: {  	_ =	shalt  }
0x76: {  	_ =	shalt  }
0x77: {  	_ =	shalt  }
0x78: {  	_ =	shalt  }
0x79: {  	_ =	shalt  }
0x7a: {  	_ =	shalt  }
0x7b: {  	_ =	shalt  }
0x7c: {  	_ =	shalt  }
0x7d: {  	_ =	shalt  }
0x7e: {  	_ =	shalt  }
0x7f: {  	_ =	shalt  }
0x80: {  	_ =	shalt  }
0x81: {  	_ =	shalt  }
0x82: {  	_ =	shalt  }
0x83: {  	_ =	shalt  }
0x84: {  	_ =	shalt  }
0x85: {  	_ =	shalt  }
0x86: {  	_ =	shalt  }
0x87: {  	_ =	shalt  }
.Lfunc_end0:
.L_simem_size_0:
called_computation.1_lowered:
.L_overlay_start_0:
0x88: {  	s2 =	sld [smem:$0x3FD9]  }
0x89: {  	s3 =	sld [smem:$0x3FFE];
	_ =	sdelay $0x1  }
0x8a: {  	s1 =	srdreg.scid  }
0x8b: {  	s0 =	sand.u32 $0x1, s1  }
0x8c: {  	s17 =	sshll.u32 s0, $0xA;
	s2 =	sadd.s32 s3, s2  }
0x8d: {  	s2 =	sadd.s32 s2, s17  }
0x8e: {  	[smem:$0x3FBC] =	sst s2  }
0x8f: {  	_ = 	snop  }
0x90: {  	s2 =	sld [smem:$0x3FC7]  }
0x91: {  	s18 =	sld [smem:$0x3FD0];
	(tm) =	ssettm $0x1  }
0x92: {  	s4 =	sld [smem:$0x3FFB];
	_ =	sdelay $0x3  }
0x93: {  	_ =	strace s4  }
0x94: {  	s4 =	sld [smem:$0x3FFC];
	_ =	sdelay $0x3  }
0x95: {  	_ =	strace s4  }
0x96: {  	s4 =	sld [smem:$0x3FFD];
	_ =	sdelay $0x3  }
0x97: {  	_ =	strace s4  }
0x98: {  	_ =	strace $0x8FFFFFFF  }
0x99: {  	s19 =	sld [smem:$0x3FDB];
	_ =	sdelay $0x1  }
0x9a: {  	s5 =	simm.s32 $_scs_section_size  }
0x9b: {  	s6 =	simm.s32 $_size__tile_overlayer_lowered;
	s7 =	simm.s32 $_tile_overlayer_lowered  }
0x9c: {  	s22 =	simm.s32 $0x1BFF;
	s21 =	sshll.u32 s7, $0x1;
	s4 =	sadd.s32 s5, s19  }
0x9d: {  	s8 =	simm.s32 $0x0;
	s20 =	sshll.u32 s6, $0x1;
	s6 =	sadd.s32 s21, s4  }
0x9e: {  	[timem:s8], [sflag:s22] =	dma.local [hbm:s6], s20  }
0x9f: {  	_ =	swait.ge [sflag:s22], s20  }
0xa0: {  	s5 =	ssub.s32 $0x0, s20;
	[sflag:s22] =	ssyncset.done $0x0  }
0xa1: {  	[sflag:s22] =	ssyncadd.s32 s5;
	_ =	sdelay $0x1  }
0xa2: {  	s23 =	simm.s32 $0x1B8B  }
0xa3: {  	_ =	swait.ge [sflag:s23], $0x1  }
0xa4: {  	[sflag:s23] =	ssyncset.done $0x0  }
0xa5: {  	s25 =	simm.s32 $0x1B8E;
	s24 =	sld [smem:$0x3FFE];
	[sflag:s23] =	ssyncadd.s32 $0xFFFFFFFF  }
0xa6: {  	s26 =	simm.s32 $execute0_lowered;
	[smem:$0x3FD2] =	sst s25  }
0xa7: {  	s6 =	sshll.u32 s26, $0x1;
	_ =	strace $0x80000049;
	[dreg:$0x1] =	wrdreg $0xFFFFFFFF  }
0xa8: {  	s28 =	simm.s32 $_size_execute0_lowered;
	s4 =	sadd.s32 s4, s6;
	[dreg:$0x0] =	wrdreg $0x0  }
0xa9: {  	s6 =	sshll.u32 s28, $0x1;
	[dreg:$0x2] =	wrdreg s4  }
0xaa: {  	[dreg:$0x3] =	wrdreg s6  }
0xab: {  	[dreg:$0x4] =	wrdreg $0xC0  }
0xac: {  	_ =	task [dreg:s8], $0x5FFFF  }
0xad: {  	[dreg:$0x1] =	wrdreg $0xFFFFFFFF  }
0xae: {  	[dreg:$0x0] =	wrdreg $0x60  }
0xaf: {  	[dreg:$0x2] =	wrdreg s24  }
0xb0: {  	[dreg:$0x3] =	wrdreg s2  }
0xb1: {  	[dreg:$0x4] =	wrdreg s18  }
0xb2: {  	[dreg:$0x5] =	wrdreg $0xCF300  }
0xb3: {  	[dreg:$0x6] =	wrdreg $0x9  }
0xb4: {  	_ =	task.clear_ibuf [dreg:s8], $0x7FFFF;
	_ =	strace $0x90000049  }
0xb5: {  	s29 =	simm.s32 $0x9;
	_ =	strace $0x8000004B  }
0xb6: {  	_ =	swait.ge [sflag:s29], $0x1  }
0xb7: {  	[sflag:s29] =	ssyncadd.s32 $0xFFFFFFFF  }
0xb8: {  	_ =	strace $0x9000004B  }
0xb9: {  	_ =	sfence  }
0xba: {  	s30 =	sld [smem:$0x0];
	_ =	sdelay $0x2  }
0xbb: {  	s31 =	sshll.u32 s1, $0xD;
	s1 =	sshrl.u32 s1, $0x2  }
0xbc: {  	s3 =	sand.u32 $0x4000, s31;
	s1 =	sadd.s32 s1, s30  }
0xbd: {  	s0 =	sor.u32 s3, s0;
	s1 =	sshll.u32 s1, $0x11  }
0xbe: {  	s0 =	sor.u32 s1, s0  }
0xbf: {  	s0 =	sadd.s32 $0x8F2B, s0  }
0xc0: {  	[sflag:s0] =	ssyncadd.remote.s32 $0x1  }
0xc1: {  	_ =	sfence.sel $0xFFFF  }
0xc2: {  	[dreg:$0x0] =	wrdreg $0xFFFFFFFF;
	(pc) =	sbr.abs _section_cstart, $3  }
0xc3: {  	[dreg:$0x1] =	wrdreg $0xFFFFFFFF  }
0xc4: {  	_ =	task.clear_ibuf [dreg:s8], $0x2FFFF;
	_ =	strace $0x9FFFFFFF  }
0xc5: {  	(tm) =	ssettm $0x7FFFFFFF  }
tec
execute0_lowered:
.L_overlay_start_1:
0x0: {  	(tag) =	ssettag $0x1  }
0x1: {  	s5 =	rddreg [dreg:$0x0]  }
0x2: {  	s8 =	rddreg [dreg:$0x1]  }
0x3: {  	s1 =	srdreg.scid;
	s9 =	rddreg [dreg:$0x2]  }
0x4: {  	s0 =	stileid.u32;
	s2 =	rddreg [dreg:$0x3]  }
0x5: {  	s3 =	simm.s32 $0x0;
	s14 =	simm.s32 $0x50;
	s15 =	simm.s32 $0x7530  }
0x6: {  	s16 =	simm.s32 $0x1;
	s17 =	simm.s32 $0x0;
	s4 =	sand.u32 $0x1, s1  }
0x7: {  	s29 =	sshll.u32 s0, $0x1;
	s1 =	rddreg [dreg:$0x4];
	s7 =	smul.u32 $0x5000, s0  }
0x8: {  	s6 =	sor.u32 s4, s29;
	s30 =	ssub.s32 $0x2, s4;
	s12 =	smul.u32 $0x50000, s4  }
0x9: {  	[smem:$0x7FF] =	sst s3;
	s10 =	smul.u32 $0x4E2, s6;
	s11 =	sshrl.u32 s30, $0x1  }
0xa: {  	_ =	strace $0x8000004A;
	s4 =	sadd.s32 $0x1E00, s5;
	s11 =	ssub.s32 s30, s11  }
0xb: {  	s12 =	sadd.s32 s7, s12;
	s13 =	sadd.s32 s10, s5;
	s5 =	sadd.s32 s7, s2  }
0xc: {  	s8 =	sadd.s32 s8, s10;
	s31 =	sshrl.u32 s12, $0x3;
	s10 =	smax.u32 s11, $0x1  }
0xd: {  	s11 =	simm.s32 $0x7F30;
	s12 =	simm.s32 $0x2;
	s6 =	sadd.s32 $0x11E00, s13  }
0xe: {  	v0 =	vimm.f32 $0.0e+00;
	s7 =	sadd.s32 $0x1BC00, s13;
	s9 =	sadd.s32 s9, s31;
	s13 =	simm.s32 $0x2710  }
.LBB2_1:
0xf: {  	s18 =	simm.s32 $0x80;
	s19 =	simm.s32 $0x0  }
.LBB2_2:
0x10: {  	p0 =	sne.s32 s18, $0x13F80;
	[tilespmem:s19+$0x7F30] =	vst v0;
	s20 =	smov.u32 s18;
	s18 =	sadd.s32 $0x80, s18  }
.Ltmp0:
0x11: {  	[tilespmem:s19+$0x7F40] =	vst v0;
	(pc) =	sbr.rel @p0 .LBB2_2-.Ltmp0, $2  }
0x12: {  	_ =	sdelay $0x2  }
0x13: {  	s19 =	sshra.s32 s20, $0x2  }
0x14: {  	[tilespmem:s19+$0x7F30] =	vst v0  }
0x15: {  	[tilespmem:s19+$0x7F40] =	vst v0  }
0x16: {  	[spmem:s5] =	stream.linear.scatter [tilespmem:s11], [sflag:$0x2], $0x5000, $0x38;
	[tilespmem:$0x11F30] =	vst v63  }
0x17: {  	_ =	swait.ge [sflag:s12], $0x5000  }
0x18: {  	[sflag:s12] =	ssyncset.done $0x0  }
0x19: {  	[sflag:s12] =	ssyncadd.s32 $0xFFFFB000  }
0x1a: {  	s18 =	simm.s32 $0x0;
	[bflag:$0x0] =	sbarrier.arrive $0xFFFF  }
0x1b: {  	[tilespmem:s18], [sflag:$0x2] =	stream.linear.gather [hbm4b:s6+s18], $0x2710, $0x38;
	[tilespmem:$0x11F30] =	vst v63  }
0x1c: {  	_ =	swait.ge [sflag:s12], $0x2710  }
0x1d: {  	[sflag:s12] =	ssyncset.done $0x0  }
0x1e: {  	[sflag:s12] =	ssyncadd.s32 $0xFFFFD8F0  }
0x1f: {  	[tilespmem:s13], [sflag:$0x2] =	stream.linear.gather [hbm4b:s7+s18], $0x2710, $0x38;
	[tilespmem:$0x11F30] =	vst v63  }
0x20: {  	_ =	swait.ge [sflag:s12], $0x2710  }
0x21: {  	[sflag:s12] =	ssyncset.done $0x0  }
0x22: {  	s19 =	simm.s32 $0x4E20;
	[sflag:s12] =	ssyncadd.s32 $0xFFFFD8F0  }
0x23: {  	[tilespmem:s19], [sflag:$0x2] =	stream.linear.gather [hbm4b:s8+s18], $0x2710, $0x38;
	[tilespmem:$0x11F30] =	vst v63  }
0x24: {  	_ =	swait.ge [sflag:s12], $0x2710  }
0x25: {  	[sflag:s12] =	ssyncset.done $0x0  }
0x26: {  	[sflag:s12] =	ssyncadd.s32 $0xFFFFD8F0  }
.LBB2_4:
0x27: {  	s20 =	smul.u32 $0x50, s18;
	_ =	sdelay $0x1  }
0x28: {  	[tilespmem:s15], [sflag:$0x1] =	stream.indirect.gather [hbm4b:s4+s14], $0x20, s20, s14, $0xb8;
	[tilespmem:$0x11F30] =	vst v63  }
0x29: {  	_ =	swait.ge [sflag:s16], $0xA00  }
0x2a: {  	[sflag:s16] =	ssyncset.done $0x0  }
0x2b: {  	s21 =	simm.s32 $0x7630;
	[sflag:s16] =	ssyncadd.s32 $0xFFFFF600  }
0x2c: {  	v7 =	vld [tilespmem:s21+$0xFFFFFFA0]  }
0x2d: {  	v4 =	vld [tilespmem:s21+$0xFFFFFFF0]  }
0x2e: {  	v1 =	vld [tilespmem:s21+$0xFFFFFF60]  }
0x2f: {  	v5 =	vmov s19;
	v8 =	vld [tilespmem:s21+$0xFFFFFFD0]  }
0x30: {  	v9 =	vld [tilespmem:s21+$0x80]  }
0x31: {  	v12 =	vld [tilespmem:s21+$0xFFFFFF10]  }
0x32: {  	v16 =	vld [tilespmem:s21+$0xE0]  }
0x33: {  	s22 =	simm.s32 $0x0;
	v11 =	vld [tilespmem:s21+$0xFFFFFF40]  }
0x34: {  	v2 =	vld.idx.msk [tilespmem:v5+s22+$0x0 ss:$0x1], $0xffff  }
0x35: {  	v3 =	vld [tilespmem:s21+$0xFFFFFF90]  }
0x36: {  	v10 =	vld [tilespmem:s21+$0xFFFFFFC0]  }
0x37: {  	v13 =	vld [tilespmem:s21+$0xFFFFFF00]  }
0x38: {  	v14 =	vld [tilespmem:s21+$0xD0]  }
0x39: {  	v23 =	vld [tilespmem:s21+$0xC0]  }
0x3a: {  	v21 =	vld [tilespmem:s21+$0x90];
	v19 =	vbroadcast v2, $0x0;
	v6 =	vbroadcast v2, $0xF  }
0x3b: {  	v22 =	vld [tilespmem:s21+$0xFFFFFF50];
	v20 =	vbroadcast v2, $0x2;
	v18 =	vbroadcast v2, $0xE  }
0x3c: {  	v17 =	vld [tilespmem:s21+$0xB0];
	v15 =	vbroadcast v2, $0xC;
	v25 =	vmul.f32 v19, v13  }
0x3d: {  	s23 =	simm.s32 $0x7630;
	s22 =	simm.s32 $0x40;
	v13 =	vbroadcast v2, $0xD;
	v24 =	vmul.f32 v11, v20;
	v11 =	vld [tilespmem:s21+$0x60]  }
.LBB2_5:
0x3e: {  	p0 =	sne.s32 s22, $0x100  }
0x3f: {  	[tilespmem:s21+$0xFFFFFF00] =	vst v25;
	v25 =	vld [tilespmem:s21+$0xFFFFFFB0];
	v23 =	vmul.f32 v23, v18;
	v16 =	vmul.f32 v16, v6;
	s23 =	sadd.s32 $0x200, s23;
	s24 =	smov.u32 s22;
	s22 =	sadd.s32 $0x40, s22  }
0x40: {  	[tilespmem:s21+$0xFFFFFF40] =	vst v24;
	v24 =	vbroadcast v2, $0xA;
	v21 =	vmul.f32 v21, v15;
	v26 =	vld [tilespmem:s21+$0xA0]  }
0x41: {  	v12 =	vmul.f32 v12, v19;
	v19 =	vmul.f32 v22, v20;
	v20 =	vld [tilespmem:s21+$0x70];
	[tilespmem:s21+$0xE0] =	vst v16  }
0x42: {  	v16 =	vbroadcast v2, $0x5;
	v22 =	vld [tilespmem:s21+$0xFFFFFFE0];
	v17 =	vmul.f32 v17, v13;
	[tilespmem:s21+$0xC0] =	vst v23  }
0x43: {  	v14 =	vmul.f32 v14, v18;
	[tilespmem:s21+$0xFFFFFF10] =	vst v12;
	v12 =	vbroadcast v2, $0x6;
	v23 =	vld [tilespmem:s21+$0x40]  }
0x44: {  	v27 =	vbroadcast v2, $0xB;
	v7 =	vmul.f32 v7, v16;
	v18 =	vld [tilespmem:s21+$0xFFFFFF20];
	[tilespmem:s21+$0x90] =	vst v21  }
0x45: {  	v21 =	vbroadcast v2, $0x9;
	[tilespmem:s21+$0xFFFFFF50] =	vst v19;
	v19 =	vld [tilespmem:s21+$0x20];
	v13 =	vmul.f32 v26, v13  }
0x46: {  	v16 =	vmul.f32 v25, v16;
	v25 =	vld [tilespmem:s21+$0x50];
	v20 =	vmul.f32 v20, v27;
	[tilespmem:s21+$0xD0] =	vst v14  }
0x47: {  	v9 =	vmul.f32 v9, v15;
	v14 =	vbroadcast v2, $0x7;
	v26 =	vld [tilespmem:s21+$0x30];
	[tilespmem:s21+$0xA0] =	vst v13  }
0x48: {  	v10 =	vmul.f32 v10, v12;
	v13 =	vbroadcast v2, $0x3;
	v15 =	vld [tilespmem:s21+$0x0];
	[tilespmem:s21+$0x70] =	vst v20  }
0x49: {  	v11 =	vmul.f32 v11, v27;
	v8 =	vmul.f32 v8, v12;
	v12 =	vld [tilespmem:s21+$0x10];
	[tilespmem:s21+$0x80] =	vst v9  }
0x4a: {  	v20 =	vbroadcast v2, $0x8;
	v23 =	vmul.f32 v23, v24;
	v9 =	vld [tilespmem:s21+$0xFFFFFF30];
	[tilespmem:s21+$0xB0] =	vst v17  }
0x4b: {  	v17 =	vbroadcast v2, $0x1;
	v27 =	vld [tilespmem:s21+$0xFFFFFF70];
	[tilespmem:s21+$0xFFFFFFD0] =	vst v8;
	v24 =	vmul.f32 v25, v24  }
0x4c: {  	v4 =	vmul.f32 v4, v14;
	v8 =	vmul.f32 v22, v14;
	[tilespmem:s21+$0xFFFFFFC0] =	vst v10;
	v10 =	vld [tilespmem:s21+$0xF0]  }
0x4d: {  	v22 =	vmul.f32 v26, v21;
	v14 =	vld [tilespmem:s21+$0xFFFFFF80];
	[tilespmem:s21+$0xFFFFFFA0] =	vst v7;
	v15 =	vmul.f32 v15, v20  }
0x4e: {  	v7 =	vld [tilespmem:s23+$0xFFFFFFA0];
	[tilespmem:s21+$0xFFFFFFF0] =	vst v4;
	v20 =	vmul.f32 v12, v20;
	v12 =	vmul.f32 v19, v21  }
0x4f: {  	v4 =	vmul.f32 v18, v17;
	v17 =	vmul.f32 v9, v17;
	[tilespmem:s21+$0x60] =	vst v11  }
0x50: {  	v1 =	vmul.f32 v1, v13;
	v9 =	vmul.f32 v27, v13;
	[tilespmem:s21+$0xFFFFFFB0] =	vst v16  }
0x51: {  	v2 =	vbroadcast v2, $0x4;
	[tilespmem:s21+$0xFFFFFF20] =	vst v4;
	v4 =	vmul.f32 v10, v6  }
0x52: {  	[tilespmem:s21+$0xFFFFFF60] =	vst v1  }
0x53: {  	v6 =	vmul.f32 v14, v2;
	v1 =	vmul.f32 v3, v2;
	[tilespmem:s21+$0x40] =	vst v23  }
0x54: {  	[tilespmem:s21+$0xFFFFFFE0] =	vst v8  }
0x55: {  	[tilespmem:s21+$0xF0] =	vst v4  }
0x56: {  	[tilespmem:s21+$0xFFFFFF90] =	vst v1  }
0x57: {  	[tilespmem:s21+$0xFFFFFF70] =	vst v9  }
0x58: {  	v4 =	vld [tilespmem:s23+$0xFFFFFFF0];
	[tilespmem:s21+$0x20] =	vst v12  }
0x59: {  	v1 =	vld [tilespmem:s23+$0xFFFFFF60];
	[tilespmem:s21+$0x30] =	vst v22  }
0x5a: {  	v8 =	vld [tilespmem:s23+$0xFFFFFFD0];
	[tilespmem:s21+$0xFFFFFF80] =	vst v6  }
0x5b: {  	v9 =	vld [tilespmem:s23+$0x80];
	[tilespmem:s21+$0x50] =	vst v24  }
0x5c: {  	v12 =	vld [tilespmem:s23+$0xFFFFFF10];
	[tilespmem:s21+$0x0] =	vst v15  }
0x5d: {  	v16 =	vld [tilespmem:s23+$0xE0];
	[tilespmem:s21+$0xFFFFFF30] =	vst v17  }
0x5e: {  	s24 =	sshra.s32 s24, $0x2;
	v11 =	vld [tilespmem:s23+$0xFFFFFF40];
	[tilespmem:s21+$0x10] =	vst v20;
	s21 =	smov.u32 s23  }
0x5f: {  	v2 =	vld.idx.msk [tilespmem:v5+s24+$0x0 ss:$0x1], $0xffff  }
0x60: {  	v3 =	vld [tilespmem:s23+$0xFFFFFF90]  }
0x61: {  	v10 =	vld [tilespmem:s23+$0xFFFFFFC0]  }
0x62: {  	v13 =	vld [tilespmem:s23+$0xFFFFFF00]  }
0x63: {  	v14 =	vld [tilespmem:s23+$0xD0]  }
.Ltmp1:
0x64: {  	v23 =	vld [tilespmem:s23+$0xC0];
	(pc) =	sbr.rel @p0 .LBB2_5-.Ltmp1, $4  }
0x65: {  	v19 =	vbroadcast v2, $0x0;
	v6 =	vbroadcast v2, $0xF;
	v21 =	vld [tilespmem:s23+$0x90]  }
0x66: {  	v20 =	vbroadcast v2, $0x2;
	v18 =	vbroadcast v2, $0xE;
	v22 =	vld [tilespmem:s23+$0xFFFFFF50]  }
0x67: {  	v25 =	vmul.f32 v19, v13;
	v13 =	vbroadcast v2, $0xD;
	v17 =	vld [tilespmem:s23+$0xB0]  }
0x68: {  	v15 =	vbroadcast v2, $0xC;
	v24 =	vmul.f32 v11, v20;
	v11 =	vld [tilespmem:s23+$0x60]  }
0x69: {  	[tilespmem:s21+$0xFFFFFF00] =	vst v25;
	v5 =	vmul.f32 v16, v6  }
0x6a: {  	v30 =	vmul.f32 v23, v18;
	[tilespmem:s21+$0xFFFFFF40] =	vst v24  }
0x6b: {  	v12 =	vmul.f32 v12, v19;
	[tilespmem:s21+$0xE0] =	vst v5  }
0x6c: {  	v35 =	vmul.f32 v14, v18;
	[tilespmem:s21+$0xC0] =	vst v30  }
0x6d: {  	v33 =	vmul.f32 v21, v15;
	[tilespmem:s21+$0xFFFFFF10] =	vst v12  }
0x6e: {  	v41 =	vbroadcast v2, $0x6;
	v9 =	vmul.f32 v9, v15;
	[tilespmem:s21+$0xD0] =	vst v35  }
0x6f: {  	v20 =	vmul.f32 v22, v20;
	[tilespmem:s21+$0x90] =	vst v33  }
0x70: {  	v45 =	vbroadcast v2, $0x5;
	v8 =	vmul.f32 v8, v41;
	[tilespmem:s21+$0x80] =	vst v9  }
0x71: {  	v47 =	vbroadcast v2, $0x7;
	v10 =	vmul.f32 v10, v41;
	[tilespmem:s21+$0xFFFFFF50] =	vst v20  }
0x72: {  	v54 =	vbroadcast v2, $0x3;
	v7 =	vmul.f32 v7, v45;
	[tilespmem:s21+$0xFFFFFFD0] =	vst v8  }
0x73: {  	v31 =	vld [tilespmem:s21+$0xA0];
	v59 =	vbroadcast v2, $0x4;
	v4 =	vmul.f32 v4, v47;
	[tilespmem:s21+$0xFFFFFFC0] =	vst v10  }
0x74: {  	v32 =	vld [tilespmem:s21+$0x70];
	v1 =	vmul.f32 v1, v54;
	[tilespmem:s21+$0xFFFFFFA0] =	vst v7  }
0x75: {  	v34 =	vld [tilespmem:s21+$0xFFFFFFB0];
	v37 =	vbroadcast v2, $0xB;
	v3 =	vmul.f32 v3, v59;
	[tilespmem:s21+$0xFFFFFFF0] =	vst v4  }
0x76: {  	v36 =	vld [tilespmem:s21+$0xFFFFFF20];
	v43 =	vmul.f32 v17, v13;
	[tilespmem:s21+$0xFFFFFF60] =	vst v1  }
0x77: {  	v40 =	vld [tilespmem:s21+$0x40];
	v11 =	vmul.f32 v11, v37;
	[tilespmem:s21+$0xFFFFFF90] =	vst v3  }
0x78: {  	v38 =	vld [tilespmem:s21+$0xFFFFFFE0];
	v39 =	vmul.f32 v31, v13;
	[tilespmem:s21+$0xB0] =	vst v43  }
0x79: {  	v52 =	vbroadcast v2, $0x1;
	v55 =	vld [tilespmem:s21+$0xF0];
	v19 =	vmul.f32 v32, v37;
	[tilespmem:s21+$0x60] =	vst v11  }
0x7a: {  	v49 =	vld [tilespmem:s21+$0xFFFFFF70];
	v56 =	vbroadcast v2, $0xA;
	v53 =	vmul.f32 v34, v45;
	[tilespmem:s21+$0xA0] =	vst v39  }
0x7b: {  	v46 =	vld [tilespmem:s21+$0x30];
	v14 =	vmul.f32 v36, v52;
	[tilespmem:s21+$0x70] =	vst v19  }
0x7c: {  	v50 =	vld [tilespmem:s21+$0xFFFFFF80];
	v58 =	vmul.f32 v40, v56;
	[tilespmem:s21+$0xFFFFFFB0] =	vst v53  }
0x7d: {  	v44 =	vld [tilespmem:s21+$0x20];
	v5 =	vmul.f32 v38, v47;
	[tilespmem:s21+$0xFFFFFF20] =	vst v14  }
0x7e: {  	v57 =	vld [tilespmem:s21+$0xFFFFFF30];
	v60 =	vbroadcast v2, $0x9;
	v1 =	vmul.f32 v55, v6;
	[tilespmem:s21+$0x40] =	vst v58  }
0x7f: {  	v42 =	vld [tilespmem:s21+$0x50];
	v61 =	vmul.f32 v49, v54;
	[tilespmem:s21+$0xFFFFFFE0] =	vst v5  }
0x80: {  	v48 =	vld [tilespmem:s21+$0x0];
	v3 =	vmul.f32 v46, v60;
	[tilespmem:s21+$0xF0] =	vst v1  }
0x81: {  	v51 =	vld [tilespmem:s21+$0x10];
	v62 =	vmul.f32 v50, v59;
	[tilespmem:s21+$0xFFFFFF70] =	vst v61  }
0x82: {  	v1 =	vmul.f32 v44, v60;
	[tilespmem:s21+$0x30] =	vst v3  }
0x83: {  	v2 =	vbroadcast v2, $0x8;
	v63 =	vmul.f32 v57, v52;
	[tilespmem:s21+$0xFFFFFF80] =	vst v62  }
0x84: {  	[tilespmem:s21+$0x20] =	vst v1;
	v1 =	vmul.f32 v42, v56  }
0x85: {  	v3 =	vmul.f32 v48, v2;
	[tilespmem:s21+$0xFFFFFF30] =	vst v63  }
0x86: {  	s18 =	sadd.s32 $0x1, s18;
	[tilespmem:s21+$0x50] =	vst v1;
	v1 =	vmul.f32 v51, v2  }
0x87: {  	p0 =	sne.s32 s18, $0x7D;
	[tilespmem:s21+$0x0] =	vst v3  }
.Ltmp2:
0x88: {  	s20 =	sadd.s32 $0x2710, s20;
	[tilespmem:s21+$0x10] =	vst v1;
	(pc) =	sbr.rel @p0 .LBB2_4-.Ltmp2, $4  }
0x89: {  	[spmem:s2] =	stream.indirect.scatter.add.f32 [tilespmem:s15], [sflag:$0x2], $0x20, s20, s14, $0xb8;
	[tilespmem:$0x11F30] =	vst v63  }
0x8a: {  	_ =	swait.ge [sflag:s12], $0xA00  }
0x8b: {  	[sflag:s12] =	ssyncset.done $0x0  }
0x8c: {  	s19 =	sadd.s32 $0x50, s19;
	[sflag:s12] =	ssyncadd.s32 $0xFFFFF600  }
0x8d: {  	[bflag:$0x0] =	sbarrier.arrive $0xFFFF  }
0x8e: {  	[tilespmem:s11], [sflag:$0x2] =	stream.linear.gather [spmem:s5], $0x5000, $0x38;
	[tilespmem:$0x11F30] =	vst v63  }
0x8f: {  	s17 =	sadd.s32 $0x1, s17;
	_ =	swait.ge [sflag:s12], $0x5000  }
0x90: {  	p0 =	sne.s32 s17, s10;
	[sflag:s12] =	ssyncset.done $0x0  }
.Ltmp3:
0x91: {  	[sflag:s12] =	ssyncadd.s32 $0xFFFFB000;
	(pc) =	sbr.rel @p0 .LBB2_1-.Ltmp3, $4  }
0x92: {  	[hbm4b:s9+s3] =	stream.linear.scatter [tilespmem:s11], [sflag:$0x2], $0x5000, $0x38;
	[tilespmem:$0x11F30] =	vst v63  }
0x93: {  	_ =	swait.ge [sflag:s12], $0x5000  }
0x94: {  	[sflag:s12] =	ssyncset.done $0x0  }
0x95: {  	[sflag:s12] =	ssyncadd.s32 $0xFFFFB000  }
0x96: {  	_ =	sfence.sel $0x180000  }
0x97: {  	[bflag:$0x0] =	sbarrier.arrive $0xFFFF  }
0x98: {  	p0 =	sne.s32 s0, $0x0;
	_ =	strace $0x9000004A  }
0x99: {  	s0 =	sadd.s32 @!p0 $0x100000, s1;
	[bflag:$0x2] =	sbarrier.arrive $0xFFFF  }
0x9a: {  	[sflag:s0] =	ssyncadd.tile.s32 @!p0 $0x1;
	_ =	shalt  }
.Lfunc_end2:
_tile_overlayer_lowered:
.L_overlay_start_2:
0x9b: {  	(tag) =	ssettag $0x2  }
0x9c: {  	s0 =	rddreg [dreg:$0x0];
	s2 =	stileid.u32  }
0x9d: {  	s1 =	rddreg [dreg:$0x1];
	p0 =	sne.s32 s2, $0x0  }
0x9e: {  	s3 =	rddreg [dreg:$0x2];
	[bflag:$0x3] =	sbarrier.arrive $0xFFFF;
	s2 =	simm.s32 @!p0 $0x1C02  }
0x9f: {  	[timem:s3], [sflag:s2] =	dma.local @!p0 [hbm:s0], s1  }
0xa0: {  	s0 =	simm.s32 @!p0 $0x2  }
0xa1: {  	_ =	swait.ge @!p0 [sflag:s0], s1  }
0xa2: {  	s1 =	ssub.s32 @!p0 $0x0, s1;
	[sflag:s0] =	ssyncset.done @!p0 $0x0  }
0xa3: {  	[sflag:s0] =	ssyncadd.s32 @!p0 s1  }
0xa4: {  	[bflag:$0x3] =	sbarrier.arrive $0xFFFF  }
0xa5: {  	_ =	shalt  }

</sc_bundles>
